<compile_context>
chip_gen: v7x
topology: tpu7x:2x2x1
jax: 0.10.2.dev20260603
libtpu: 0.0.44.dev20260713+nightly
codegen_flags: <defaults>
</compile_context>

<pallas_src>
import functools

import jax
import jax.numpy as jnp
from jax import lax
from jax.experimental import pallas as pl
from jax.experimental.pallas import tpu as pltpu
from jax.experimental.pallas import tpu_sc as plsc

N = 10000
E = 320000
H = 128
NUM_GRAPHS = 128
NUM_CLASSES = 10

N_PAD = 10240
E_CHUNK = 128
E_CHUNKS_PER_TILE = 80
E_PAD = 32 * E_CHUNKS_PER_TILE * E_CHUNK
ROWS_PER_TILE = N_PAD // 32
ROWS_PER_SUBCORE = N_PAD // 16

_MESH = plsc.VectorSubcoreMesh(core_axis_name="c", subcore_axis_name="s")


@functools.partial(
    pl.kernel,
    out_type=[
        jax.ShapeDtypeStruct((N_PAD, H), jnp.float32),
        jax.ShapeDtypeStruct((2, N_PAD, H), jnp.float32),
    ],
    mesh=_MESH,
    scratch_types=[
        pltpu.VMEM((80,), jnp.int32),
        pltpu.VMEM((80, H), jnp.float32),
        pltpu.VMEM((E_CHUNKS_PER_TILE, E_CHUNK), jnp.int32),
        pltpu.VMEM((E_CHUNK, H), jnp.float32),
        pltpu.VMEM_SHARED((N_PAD, H), jnp.float32),
        pltpu.SemaphoreType.DMA,
        pltpu.SemaphoreType.DMA,
        pltpu.SemaphoreType.DMA,
    ],
)
def _sc_embed_deg(emb_h, x_h, zeros_h, ones_h, dst_h, h0_h, degp_h,
                  idx_v, rows_v, didx_v, ones_v, acc_s, sem, sd0, sd1):
    c = lax.axis_index("c")
    s = lax.axis_index("s")
    wid = s * 2 + c

    pltpu.sync_copy(ones_h, ones_v)
    pltpu.sync_copy(zeros_h.at[pl.ds(s * ROWS_PER_SUBCORE, ROWS_PER_SUBCORE)],
                    acc_s.at[pl.ds(s * ROWS_PER_SUBCORE, ROWS_PER_SUBCORE)])
    plsc.subcore_barrier()

    def emb_chunk(t, _):
        base = wid * ROWS_PER_TILE + t * 80
        pltpu.sync_copy(x_h.at[pl.ds(base, 80)], idx_v)
        pltpu.async_copy(emb_h.at[idx_v], rows_v, sem).wait()
        pltpu.sync_copy(rows_v, h0_h.at[pl.ds(base, 80)])
        return 0
    lax.fori_loop(0, ROWS_PER_TILE // 80, emb_chunk, 0)

    pltpu.sync_copy(dst_h.at[wid], didx_v)

    def deg_pair(p, _):
        pltpu.async_copy(ones_v, acc_s.at[didx_v.at[2 * p]], sd0, add=True)
        pltpu.async_copy(ones_v, acc_s.at[didx_v.at[2 * p + 1]], sd1, add=True)
        pltpu.make_async_copy(ones_v, acc_s.at[didx_v.at[2 * p]], sd0).wait()
        pltpu.make_async_copy(ones_v, acc_s.at[didx_v.at[2 * p + 1]], sd1).wait()
        return 0
    lax.fori_loop(0, E_CHUNKS_PER_TILE // 2, deg_pair, 0)
    plsc.subcore_barrier()

    pltpu.sync_copy(
        acc_s.at[pl.ds(s * ROWS_PER_SUBCORE, ROWS_PER_SUBCORE)],
        degp_h.at[c, pl.ds(s * ROWS_PER_SUBCORE, ROWS_PER_SUBCORE)])


@functools.partial(
    pl.kernel,
    out_type=jax.ShapeDtypeStruct((2, N_PAD, H), jnp.float32),
    mesh=_MESH,
    scratch_types=[
        pltpu.VMEM((E_CHUNKS_PER_TILE // 2, E_CHUNK), jnp.int32),
        pltpu.VMEM((E_CHUNKS_PER_TILE // 2, E_CHUNK), jnp.int32),
        pltpu.VMEM((E_CHUNK, H), jnp.float32),
        pltpu.VMEM((E_CHUNK, H), jnp.float32),
        pltpu.VMEM_SHARED((N_PAD, H), jnp.float32),
        pltpu.SemaphoreType.DMA,
        pltpu.SemaphoreType.DMA,
        pltpu.SemaphoreType.DMA,
        pltpu.SemaphoreType.DMA,
    ],
)
def _sc_edge_scatter(g_h, zeros_h, src_h, dst_h, out_h,
                     sidx_v, didx_v, rows0_v, rows1_v, acc_s,
                     sg0, sg1, ss0, ss1):
    c = lax.axis_index("c")
    s = lax.axis_index("s")
    wid = s * 2 + c
    nhc = E_CHUNKS_PER_TILE // 2
    nhalf = nhc // 2

    pltpu.sync_copy(zeros_h.at[pl.ds(s * ROWS_PER_SUBCORE, ROWS_PER_SUBCORE)],
                    acc_s.at[pl.ds(s * ROWS_PER_SUBCORE, ROWS_PER_SUBCORE)])
    plsc.subcore_barrier()

    for half in range(2):
        pltpu.sync_copy(src_h.at[wid, pl.ds(half * nhc, nhc)], sidx_v)
        pltpu.sync_copy(dst_h.at[wid, pl.ds(half * nhc, nhc)], didx_v)

        pltpu.async_copy(g_h.at[sidx_v.at[0]], rows0_v, sg0)

        def pair(j, _):
            e0 = 2 * j
            pltpu.make_async_copy(g_h.at[sidx_v.at[e0]], rows0_v, sg0).wait()

            @pl.when(j > 0)
            def _():
                pltpu.make_async_copy(
                    rows1_v, acc_s.at[didx_v.at[e0 - 1]], ss1).wait()

            pltpu.async_copy(g_h.at[sidx_v.at[e0 + 1]], rows1_v, sg1)
            pltpu.async_copy(rows0_v, acc_s.at[didx_v.at[e0]], ss0, add=True)
            pltpu.make_async_copy(g_h.at[sidx_v.at[e0 + 1]], rows1_v, sg1).wait()

            @pl.when(j < nhalf - 1)
            def _():
                pltpu.make_async_copy(
                    rows0_v, acc_s.at[didx_v.at[e0]], ss0).wait()
                pltpu.async_copy(g_h.at[sidx_v.at[e0 + 2]], rows0_v, sg0)

            pltpu.async_copy(rows1_v, acc_s.at[didx_v.at[e0 + 1]], ss1, add=True)
            return 0
        lax.fori_loop(0, nhalf, pair, 0)
        pltpu.make_async_copy(rows0_v, acc_s.at[didx_v.at[nhc - 2]], ss0).wait()
        pltpu.make_async_copy(rows1_v, acc_s.at[didx_v.at[nhc - 1]], ss1).wait()
    plsc.subcore_barrier()

    pltpu.sync_copy(
        acc_s.at[pl.ds(s * ROWS_PER_SUBCORE, ROWS_PER_SUBCORE)],
        out_h.at[c, pl.ds(s * ROWS_PER_SUBCORE, ROWS_PER_SUBCORE)])


_BLK = 256
_GRID = N_PAD // _BLK


def _tc_layer1_body(h0_r, deg_r, w_r, g_r, dinv_r):
    dinv = lax.rsqrt(1.0 + deg_r[...])
    g_r[...] = dinv * jnp.dot(h0_r[...], w_r[...],
                              preferred_element_type=jnp.float32)
    dinv_r[...] = dinv


def _tc_layer1(h0, deg_col, W1):
    return pl.pallas_call(
        _tc_layer1_body,
        grid=(_GRID,),
        in_specs=[
            pl.BlockSpec((_BLK, H), lambda i: (i, 0)),
            pl.BlockSpec((_BLK, 1), lambda i: (i, 0)),
            pl.BlockSpec((H, H), lambda i: (0, 0)),
        ],
        out_specs=[
            pl.BlockSpec((_BLK, H), lambda i: (i, 0)),
            pl.BlockSpec((_BLK, 1), lambda i: (i, 0)),
        ],
        out_shape=[
            jax.ShapeDtypeStruct((N_PAD, H), jnp.float32),
            jax.ShapeDtypeStruct((N_PAD, 1), jnp.float32),
        ],
    )(h0, deg_col, W1)


def _tc_layer2_body(sp_r, g1_r, dinv_r, b_r, w_r, g2_r):
    h1 = jnp.maximum(
        dinv_r[...] * (sp_r[0] + sp_r[1] + g1_r[...]) + b_r[...], 0.0)
    g2_r[...] = dinv_r[...] * jnp.dot(h1, w_r[...],
                                      preferred_element_type=jnp.float32)


def _tc_layer2(Sp, g1, dinv, b1, W2):
    return pl.pallas_call(
        _tc_layer2_body,
        grid=(_GRID,),
        in_specs=[
            pl.BlockSpec((2, _BLK, H), lambda i: (0, i, 0)),
            pl.BlockSpec((_BLK, H), lambda i: (i, 0)),
            pl.BlockSpec((_BLK, 1), lambda i: (i, 0)),
            pl.BlockSpec((1, H), lambda i: (0, 0)),
            pl.BlockSpec((H, H), lambda i: (0, 0)),
        ],
        out_specs=pl.BlockSpec((_BLK, H), lambda i: (i, 0)),
        out_shape=jax.ShapeDtypeStruct((N_PAD, H), jnp.float32),
    )(Sp, g1, dinv, b1, W2)


def _tc_final_body(sp_r, g2_r, dinv_r, b_r, batch_r, w_r, bb_r, out_r,
                   pooled_s, cnt_s):
    i = pl.program_id(0)

    @pl.when(i == 0)
    def _():
        pooled_s[...] = jnp.zeros((NUM_GRAPHS, H), jnp.float32)
        cnt_s[...] = jnp.zeros((NUM_GRAPHS, H), jnp.float32)

    h2 = jnp.maximum(
        dinv_r[...] * (sp_r[0] + sp_r[1] + g2_r[...]) + b_r[...], 0.0)
    gids = lax.broadcasted_iota(jnp.int32, (_BLK, NUM_GRAPHS), 1)
    onehot = (batch_r[...] == gids).astype(jnp.float32)
    dn = (((0,), (0,)), ((), ()))
    pooled_s[...] += lax.dot_general(onehot, h2, dn,
                                     preferred_element_type=jnp.float32)
    cnt_s[...] += lax.dot_general(onehot, jnp.ones((_BLK, H), jnp.float32),
                                  dn, preferred_element_type=jnp.float32)

    @pl.when(i == _GRID - 1)
    def _():
        pooled = pooled_s[...] / jnp.maximum(cnt_s[...], 1.0)
        out_r[...] = jnp.dot(pooled, w_r[...],
                             preferred_element_type=jnp.float32) + bb_r[...]


def _tc_final(Sp, g2, dinv, b2, batch_p, linW_p, linb_p):
    return pl.pallas_call(
        _tc_final_body,
        grid=(_GRID,),
        in_specs=[
            pl.BlockSpec((2, _BLK, H), lambda i: (0, i, 0)),
            pl.BlockSpec((_BLK, H), lambda i: (i, 0)),
            pl.BlockSpec((_BLK, 1), lambda i: (i, 0)),
            pl.BlockSpec((1, H), lambda i: (0, 0)),
            pl.BlockSpec((_BLK, 1), lambda i: (i, 0)),
            pl.BlockSpec((H, H), lambda i: (0, 0)),
            pl.BlockSpec((1, H), lambda i: (0, 0)),
        ],
        out_specs=pl.BlockSpec((NUM_GRAPHS, H), lambda i: (0, 0)),
        out_shape=jax.ShapeDtypeStruct((NUM_GRAPHS, H), jnp.float32),
        scratch_shapes=[
            pltpu.VMEM((NUM_GRAPHS, H), jnp.float32),
            pltpu.VMEM((NUM_GRAPHS, H), jnp.float32),
        ],
    )(Sp, g2, dinv, b2, batch_p, linW_p, linb_p)


def kernel(x, edge_index, batch, emb, W1, b1, W2, b2, linW, linb):
    src = edge_index[0].astype(jnp.int32)
    dst = edge_index[1].astype(jnp.int32)
    pad_e = E_PAD - E
    pad_idx = (jnp.arange(pad_e, dtype=jnp.int32) % (N_PAD - N)) + N
    srcp = jnp.concatenate([src, pad_idx]).reshape(32, E_CHUNKS_PER_TILE, E_CHUNK)
    dstp = jnp.concatenate([dst, pad_idx]).reshape(32, E_CHUNKS_PER_TILE, E_CHUNK)
    xp = jnp.concatenate(
        [x.astype(jnp.int32), jnp.zeros((N_PAD - N,), jnp.int32)])
    batch_p = jnp.concatenate(
        [batch.astype(jnp.int32),
         jnp.full((N_PAD - N,), -1, jnp.int32)]).reshape(N_PAD, 1)
    zeros_h = jnp.zeros((N_PAD, H), jnp.float32)

    h0, degp = _sc_embed_deg(emb, xp, zeros_h,
                             jnp.ones((E_CHUNK, H), jnp.float32), dstp)
    deg_col = (degp[0] + degp[1])[:, 0:1]
    g1, dinv = _tc_layer1(h0, deg_col, W1)
    S1 = _sc_edge_scatter(g1, zeros_h, srcp, dstp)
    g2 = _tc_layer2(S1, g1, dinv, b1.reshape(1, H), W2)
    S2 = _sc_edge_scatter(g2, zeros_h, srcp, dstp)

    linW_p = jnp.pad(linW, ((0, 0), (0, H - NUM_CLASSES)))
    linb_p = jnp.pad(linb, (0, H - NUM_CLASSES)).reshape(1, H)
    out = _tc_final(S2, g2, dinv, b2.reshape(1, H), batch_p, linW_p, linb_p)
    return out[:, :NUM_CLASSES]

# --- scband reference (transcript-rebuilt; emitter-appended) ---
"""Pipeline reference for scband-gnnclassifier-41566693491151 (READ-ONLY COPY).

The authoritative reference and input builder live on the scoring server;
editing this copy changes nothing except your own understanding.
"""

import jax, jax.numpy as jnp
import numpy as np

N = 10000
E = 320000
VOCAB = 100000
H = 128
NUM_CLASSES = 10
NUM_GRAPHS = 128


def setup_inputs(seed: int = 0) -> dict:
    key = jax.random.key(seed)
    ks = jax.random.split(key, 8)
    x = jax.random.randint(ks[0], (N,), 0, VOCAB)
    edge_index = jax.random.randint(ks[1], (2, E), 0, N)
    batch = jnp.sort(jax.random.randint(ks[2], (N,), 0, NUM_GRAPHS))
    emb = jax.random.normal(ks[3], (VOCAB, H), dtype=jnp.float32) * 0.02
    W1 = jax.random.normal(ks[4], (H, H), dtype=jnp.float32) * (1.0 / np.sqrt(H))
    b1 = jnp.zeros((H,), dtype=jnp.float32)
    W2 = jax.random.normal(ks[5], (H, H), dtype=jnp.float32) * (1.0 / np.sqrt(H))
    b2 = jnp.zeros((H,), dtype=jnp.float32)
    linW = jax.random.normal(ks[6], (H, NUM_CLASSES), dtype=jnp.float32) * (1.0 / np.sqrt(H))
    linb = jnp.zeros((NUM_CLASSES,), dtype=jnp.float32)
    return {"x": x, "edge_index": edge_index, "batch": batch, "emb": emb,
            "W1": W1, "b1": b1, "W2": W2, "b2": b2, "linW": linW, "linb": linb}


def _gcn_conv(h, src, dst, norm, W, b):
    h = h @ W
    msg = h[src] * norm[:, None]
    out = jnp.zeros_like(h).at[dst].add(msg)
    return out + b


def reference(x, edge_index, batch, emb, W1, b1, W2, b2, linW, linb):
    src0, dst0 = edge_index[0], edge_index[1]
    loop = jnp.arange(N, dtype=edge_index.dtype)
    src = jnp.concatenate([src0, loop])
    dst = jnp.concatenate([dst0, loop])
    # symmetric GCN normalization with self-loops: D^{-1/2} (A+I) D^{-1/2}
    deg = jnp.zeros((N,), jnp.float32).at[dst].add(1.0)
    dinv = jax.lax.rsqrt(deg)
    norm = dinv[src] * dinv[dst]
    h = jnp.take(emb, x, axis=0)
    h = jax.nn.relu(_gcn_conv(h, src, dst, norm, W1, b1))
    h = jax.nn.relu(_gcn_conv(h, src, dst, norm, W2, b2))
    sums = jax.ops.segment_sum(h, batch, num_segments=NUM_GRAPHS)
    counts = jax.ops.segment_sum(jnp.ones((N,), jnp.float32), batch, num_segments=NUM_GRAPHS)
    pooled = sums / jnp.maximum(counts, 1.0)[:, None]
    return pooled @ linW + linb

if __name__ == "__main__":
    import jax
    _d = setup_inputs()
    print(jax.jit(kernel)(*tuple(_d.values())))

</pallas_src>

<mosaic_0001>
#map = affine_map<(d0, d1) -> (0, 0)>
#map1 = affine_map<(d0, d1) -> (0, 0, 0)>
module attributes {stable_mosaic.version = 14 : i64} {
  func.func @_sc_edge_scatter(%arg0: i32, %arg1: i32, %arg2: memref<10240x128xf32, #tpu.memory_space<hbm>>, %arg3: memref<10240x128xf32, #tpu.memory_space<hbm>>, %arg4: memref<32x80x128xi32, #tpu.memory_space<hbm>>, %arg5: memref<32x80x128xi32, #tpu.memory_space<hbm>>, %arg6: memref<2x10240x128xf32, #tpu.memory_space<hbm>>, %arg7: memref<40x128xi32, #tpu.memory_space<vmem>>, %arg8: memref<40x128xi32, #tpu.memory_space<vmem>>, %arg9: memref<128x128xf32, #tpu.memory_space<vmem>>, %arg10: memref<128x128xf32, #tpu.memory_space<vmem>>, %arg11: memref<10240x128xf32, #tpu.memory_space<vmem_shared>>, %arg12: memref<!tpu.dma_semaphore, #tpu.memory_space<semaphore_mem>>, %arg13: memref<!tpu.dma_semaphore, #tpu.memory_space<semaphore_mem>>, %arg14: memref<!tpu.dma_semaphore, #tpu.memory_space<semaphore_mem>>, %arg15: memref<!tpu.dma_semaphore, #tpu.memory_space<semaphore_mem>>) attributes {dimension_semantics = [#tpu.dimension_semantics<core_parallel>, #tpu.dimension_semantics<subcore_parallel>], iteration_bounds = array<i64: 2, 16>, scalar_prefetch = 0 : i64, scratch_operands = 9 : i64, tpu.core_type = #tpu.core_type<sc_vector_subcore>, window_params = [{transform_indices = #map}, {transform_indices = #map}, {transform_indices = #map1}, {transform_indices = #map1}, {transform_indices = #map1}]} {
    %mul3A = arith.constant 2 : i32
    %mul3A_0 = arith.muli %arg1, %mul3A : i32
    %add3A = arith.addi %mul3A_0, %arg0 : i32
    %mul3A_1 = arith.constant 640 : i32
    %mul3A_2 = arith.muli %arg1, %mul3A_1 : i32
    %mul3A_3 = arith.constant 640 : i32
    %mul3A_4 = arith.muli %arg1, %mul3A_3 : i32
    "tpu.region"() ({
      %run_scoped3A = tpu.sem_alloc : memref<!tpu.dma_semaphore, #tpu.memory_space<semaphore_mem>>
      %dma_start3A_63 = arith.constant 0 : i32
      %dma_start3A_64 = tpu.memref_slice %arg11[%mul3A_4, %dma_start3A_63] : memref<10240x128xf32, #tpu.memory_space<vmem_shared>> -> memref<640x128xf32, #tpu.memory_space<vmem_shared>>
      %dma_start3A_65 = arith.constant 0 : i32
      %dma_start3A_66 = tpu.memref_slice %arg3[%mul3A_2, %dma_start3A_65] : memref<10240x128xf32, #tpu.memory_space<hbm>> -> memref<640x128xf32, #tpu.memory_space<hbm>>
      tpu.enqueue_dma source(%dma_start3A_66 : memref<640x128xf32, #tpu.memory_space<hbm>>) target(%dma_start3A_64 : memref<640x128xf32, #tpu.memory_space<vmem_shared>>) target_semaphore(%run_scoped3A : memref<!tpu.dma_semaphore, #tpu.memory_space<semaphore_mem>>)
      %dma_wait3A_67 = arith.constant 0 : i32
      %dma_wait3A_68 = tpu.memref_slice %arg11[%mul3A_4, %dma_wait3A_67] : memref<10240x128xf32, #tpu.memory_space<vmem_shared>> -> memref<640x128xf32, #tpu.memory_space<vmem_shared>>
      %dma_wait3A_69 = arith.constant 0 : i32
      %dma_wait3A_70 = tpu.memref_slice %arg3[%mul3A_2, %dma_wait3A_69] : memref<10240x128xf32, #tpu.memory_space<hbm>> -> memref<640x128xf32, #tpu.memory_space<hbm>>
      tpu.wait_dma2 semaphore(%run_scoped3A : memref<!tpu.dma_semaphore, #tpu.memory_space<semaphore_mem>>) src(%dma_wait3A_70 : memref<640x128xf32, #tpu.memory_space<hbm>>) dst(%dma_wait3A_68 : memref<640x128xf32, #tpu.memory_space<vmem_shared>>)
      tpu.yield
    }) : () -> ()
    %barrier3A = arith.constant 0 : index
    tpu.barrier barrier_id(%barrier3A)
    "tpu.region"() ({
      %run_scoped3A = tpu.sem_alloc : memref<!tpu.dma_semaphore, #tpu.memory_space<semaphore_mem>>
      %dma_start3A_63 = arith.constant 0 : i32
      %dma_start3A_64 = arith.constant 0 : i32
      %dma_start3A_65 = tpu.memref_slice %arg4[%add3A, %dma_start3A_63, %dma_start3A_64] : memref<32x80x128xi32, #tpu.memory_space<hbm>> -> memref<1x40x128xi32, #tpu.memory_space<hbm>>
      %dma_start3A_66 = tpu.memref_squeeze %dma_start3A_65 : memref<1x40x128xi32, #tpu.memory_space<hbm>> -> memref<40x128xi32, #tpu.memory_space<hbm>>
      %dma_start3A_67 = arith.constant 0 : i32
      %dma_start3A_68 = arith.constant 0 : i32
      %dma_start3A_69 = tpu.memref_slice %arg4[%add3A, %dma_start3A_67, %dma_start3A_68] : memref<32x80x128xi32, #tpu.memory_space<hbm>> -> memref<1x40x128xi32, #tpu.memory_space<hbm>>
      %dma_start3A_70 = tpu.memref_squeeze %dma_start3A_69 : memref<1x40x128xi32, #tpu.memory_space<hbm>> -> memref<40x128xi32, #tpu.memory_space<hbm>>
      tpu.enqueue_dma source(%dma_start3A_70 : memref<40x128xi32, #tpu.memory_space<hbm>>) target(%arg7 : memref<40x128xi32, #tpu.memory_space<vmem>>) target_semaphore(%run_scoped3A : memref<!tpu.dma_semaphore, #tpu.memory_space<semaphore_mem>>)
      %dma_wait3A_71 = arith.constant 0 : i32
      %dma_wait3A_72 = arith.constant 0 : i32
      %dma_wait3A_73 = tpu.memref_slice %arg4[%add3A, %dma_wait3A_71, %dma_wait3A_72] : memref<32x80x128xi32, #tpu.memory_space<hbm>> -> memref<1x40x128xi32, #tpu.memory_space<hbm>>
      %dma_wait3A_74 = tpu.memref_squeeze %dma_wait3A_73 : memref<1x40x128xi32, #tpu.memory_space<hbm>> -> memref<40x128xi32, #tpu.memory_space<hbm>>
      %dma_wait3A_75 = arith.constant 0 : i32
      %dma_wait3A_76 = arith.constant 0 : i32
      %dma_wait3A_77 = tpu.memref_slice %arg4[%add3A, %dma_wait3A_75, %dma_wait3A_76] : memref<32x80x128xi32, #tpu.memory_space<hbm>> -> memref<1x40x128xi32, #tpu.memory_space<hbm>>
      %dma_wait3A_78 = tpu.memref_squeeze %dma_wait3A_77 : memref<1x40x128xi32, #tpu.memory_space<hbm>> -> memref<40x128xi32, #tpu.memory_space<hbm>>
      tpu.wait_dma2 semaphore(%run_scoped3A : memref<!tpu.dma_semaphore, #tpu.memory_space<semaphore_mem>>) src(%dma_wait3A_78 : memref<40x128xi32, #tpu.memory_space<hbm>>) dst(%arg7 : memref<40x128xi32, #tpu.memory_space<vmem>>)
      tpu.yield
    }) : () -> ()
    "tpu.region"() ({
      %run_scoped3A = tpu.sem_alloc : memref<!tpu.dma_semaphore, #tpu.memory_space<semaphore_mem>>
      %dma_start3A_63 = arith.constant 0 : i32
      %dma_start3A_64 = arith.constant 0 : i32
      %dma_start3A_65 = tpu.memref_slice %arg5[%add3A, %dma_start3A_63, %dma_start3A_64] : memref<32x80x128xi32, #tpu.memory_space<hbm>> -> memref<1x40x128xi32, #tpu.memory_space<hbm>>
      %dma_start3A_66 = tpu.memref_squeeze %dma_start3A_65 : memref<1x40x128xi32, #tpu.memory_space<hbm>> -> memref<40x128xi32, #tpu.memory_space<hbm>>
      %dma_start3A_67 = arith.constant 0 : i32
      %dma_start3A_68 = arith.constant 0 : i32
      %dma_start3A_69 = tpu.memref_slice %arg5[%add3A, %dma_start3A_67, %dma_start3A_68] : memref<32x80x128xi32, #tpu.memory_space<hbm>> -> memref<1x40x128xi32, #tpu.memory_space<hbm>>
      %dma_start3A_70 = tpu.memref_squeeze %dma_start3A_69 : memref<1x40x128xi32, #tpu.memory_space<hbm>> -> memref<40x128xi32, #tpu.memory_space<hbm>>
      tpu.enqueue_dma source(%dma_start3A_70 : memref<40x128xi32, #tpu.memory_space<hbm>>) target(%arg8 : memref<40x128xi32, #tpu.memory_space<vmem>>) target_semaphore(%run_scoped3A : memref<!tpu.dma_semaphore, #tpu.memory_space<semaphore_mem>>)
      %dma_wait3A_71 = arith.constant 0 : i32
      %dma_wait3A_72 = arith.constant 0 : i32
      %dma_wait3A_73 = tpu.memref_slice %arg5[%add3A, %dma_wait3A_71, %dma_wait3A_72] : memref<32x80x128xi32, #tpu.memory_space<hbm>> -> memref<1x40x128xi32, #tpu.memory_space<hbm>>
      %dma_wait3A_74 = tpu.memref_squeeze %dma_wait3A_73 : memref<1x40x128xi32, #tpu.memory_space<hbm>> -> memref<40x128xi32, #tpu.memory_space<hbm>>
      %dma_wait3A_75 = arith.constant 0 : i32
      %dma_wait3A_76 = arith.constant 0 : i32
      %dma_wait3A_77 = tpu.memref_slice %arg5[%add3A, %dma_wait3A_75, %dma_wait3A_76] : memref<32x80x128xi32, #tpu.memory_space<hbm>> -> memref<1x40x128xi32, #tpu.memory_space<hbm>>
      %dma_wait3A_78 = tpu.memref_squeeze %dma_wait3A_77 : memref<1x40x128xi32, #tpu.memory_space<hbm>> -> memref<40x128xi32, #tpu.memory_space<hbm>>
      tpu.wait_dma2 semaphore(%run_scoped3A : memref<!tpu.dma_semaphore, #tpu.memory_space<semaphore_mem>>) src(%dma_wait3A_78 : memref<40x128xi32, #tpu.memory_space<hbm>>) dst(%arg8 : memref<40x128xi32, #tpu.memory_space<vmem>>)
      tpu.yield
    }) : () -> ()
    %dma_start3A = arith.constant 0 : i32
    %dma_start3A_5 = arith.constant 0 : i32
    %dma_start3A_6 = tpu.memref_slice %arg7[%dma_start3A, %dma_start3A_5] : memref<40x128xi32, #tpu.memory_space<vmem>> -> memref<1x128xi32, #tpu.memory_space<vmem>>
    %dma_start3A_7 = tpu.memref_squeeze %dma_start3A_6 : memref<1x128xi32, #tpu.memory_space<vmem>> -> memref<128xi32, #tpu.memory_space<vmem>>
    %dma_start3A_8 = arith.constant 0 : i32
    %dma_start3A_9 = arith.constant 0 : i32
    %dma_start3A_10 = tpu.memref_slice %arg2[%dma_start3A_8, %dma_start3A_9] : memref<10240x128xf32, #tpu.memory_space<hbm>> -> memref<10240x128xf32, #tpu.memory_space<hbm>>
    tpu.enqueue_indirect_dma source(%dma_start3A_10 : memref<10240x128xf32, #tpu.memory_space<hbm>>) target(%arg9 : memref<128x128xf32, #tpu.memory_space<vmem>>) offsets(%dma_start3A_7 : memref<128xi32, #tpu.memory_space<vmem>>) semaphore(%arg12 : memref<!tpu.dma_semaphore, #tpu.memory_space<semaphore_mem>>)
    %scan3A = arith.constant 0 : i32
    %scan3A_11 = arith.constant 0 : i32
    %scan3A_12 = arith.constant 20 : i32
    %scan3A_13 = arith.addi %scan3A_11, %scan3A_12 : i32
    %scan3A_14 = arith.constant 1 : i32
    %scan3A_15 = scf.for %scan3A_63 = %scan3A_11 to %scan3A_13 step %scan3A_14 iter_args(%scan3A_64 = %scan3A) -> (i32)  : i32 {
      %mul3A_65 = arith.constant 2 : i32
      %mul3A_66 = arith.muli %mul3A_65, %scan3A_63 : i32
      %dma_wait3A_67 = arith.constant 0 : i32
      %dma_wait3A_68 = tpu.memref_slice %arg7[%mul3A_66, %dma_wait3A_67] : memref<40x128xi32, #tpu.memory_space<vmem>> -> memref<1x128xi32, #tpu.memory_space<vmem>>
      %dma_wait3A_69 = tpu.memref_squeeze %dma_wait3A_68 : memref<1x128xi32, #tpu.memory_space<vmem>> -> memref<128xi32, #tpu.memory_space<vmem>>
      %dma_wait3A_70 = arith.constant 0 : i32
      %dma_wait3A_71 = arith.constant 0 : i32
      %dma_wait3A_72 = tpu.memref_slice %arg2[%dma_wait3A_70, %dma_wait3A_71] : memref<10240x128xf32, #tpu.memory_space<hbm>> -> memref<10240x128xf32, #tpu.memory_space<hbm>>
      tpu.wait_indirect_dma semaphore(%arg12 : memref<!tpu.dma_semaphore, #tpu.memory_space<semaphore_mem>>) src(%dma_wait3A_72 : memref<10240x128xf32, #tpu.memory_space<hbm>>) dst(%arg9 : memref<128x128xf32, #tpu.memory_space<vmem>>)
      %gt3A = arith.constant 0 : i32
      %gt3A_73 = arith.cmpi sgt, %scan3A_63, %gt3A : i32
      %convert_element_type3A = arith.extui %gt3A_73 : i1 to i32
      %cond3A = arith.constant 0 : i32
      %cond3A_74 = arith.cmpi ne, %convert_element_type3A, %cond3A : i32
      scf.if %cond3A_74 {
        %sub3A = arith.constant 1 : i32
        %sub3A_110 = arith.subi %mul3A_66, %sub3A : i32
        %dma_wait3A_111 = arith.constant 0 : i32
        %dma_wait3A_112 = tpu.memref_slice %arg8[%sub3A_110, %dma_wait3A_111] : memref<40x128xi32, #tpu.memory_space<vmem>> -> memref<1x128xi32, #tpu.memory_space<vmem>>
        %dma_wait3A_113 = tpu.memref_squeeze %dma_wait3A_112 : memref<1x128xi32, #tpu.memory_space<vmem>> -> memref<128xi32, #tpu.memory_space<vmem>>
        %dma_wait3A_114 = arith.constant 0 : i32
        %dma_wait3A_115 = arith.constant 0 : i32
        %dma_wait3A_116 = tpu.memref_slice %arg11[%dma_wait3A_114, %dma_wait3A_115] : memref<10240x128xf32, #tpu.memory_space<vmem_shared>> -> memref<10240x128xf32, #tpu.memory_space<vmem_shared>>
        tpu.wait_indirect_dma semaphore(%arg15 : memref<!tpu.dma_semaphore, #tpu.memory_space<semaphore_mem>>) src(%arg10 : memref<128x128xf32, #tpu.memory_space<vmem>>) dst(%dma_wait3A_116 : memref<10240x128xf32, #tpu.memory_space<vmem_shared>>)
      } else {
      }
      %add3A_75 = arith.constant 1 : i32
      %add3A_76 = arith.addi %mul3A_66, %add3A_75 : i32
      %dma_start3A_77 = arith.constant 0 : i32
      %dma_start3A_78 = tpu.memref_slice %arg7[%add3A_76, %dma_start3A_77] : memref<40x128xi32, #tpu.memory_space<vmem>> -> memref<1x128xi32, #tpu.memory_space<vmem>>
      %dma_start3A_79 = tpu.memref_squeeze %dma_start3A_78 : memref<1x128xi32, #tpu.memory_space<vmem>> -> memref<128xi32, #tpu.memory_space<vmem>>
      %dma_start3A_80 = arith.constant 0 : i32
      %dma_start3A_81 = arith.constant 0 : i32
      %dma_start3A_82 = tpu.memref_slice %arg2[%dma_start3A_80, %dma_start3A_81] : memref<10240x128xf32, #tpu.memory_space<hbm>> -> memref<10240x128xf32, #tpu.memory_space<hbm>>
      tpu.enqueue_indirect_dma source(%dma_start3A_82 : memref<10240x128xf32, #tpu.memory_space<hbm>>) target(%arg10 : memref<128x128xf32, #tpu.memory_space<vmem>>) offsets(%dma_start3A_79 : memref<128xi32, #tpu.memory_space<vmem>>) semaphore(%arg13 : memref<!tpu.dma_semaphore, #tpu.memory_space<semaphore_mem>>)
      %dma_start3A_83 = arith.constant 0 : i32
      %dma_start3A_84 = tpu.memref_slice %arg8[%mul3A_66, %dma_start3A_83] : memref<40x128xi32, #tpu.memory_space<vmem>> -> memref<1x128xi32, #tpu.memory_space<vmem>>
      %dma_start3A_85 = tpu.memref_squeeze %dma_start3A_84 : memref<1x128xi32, #tpu.memory_space<vmem>> -> memref<128xi32, #tpu.memory_space<vmem>>
      %dma_start3A_86 = arith.constant 0 : i32
      %dma_start3A_87 = arith.constant 0 : i32
      %dma_start3A_88 = tpu.memref_slice %arg11[%dma_start3A_86, %dma_start3A_87] : memref<10240x128xf32, #tpu.memory_space<vmem_shared>> -> memref<10240x128xf32, #tpu.memory_space<vmem_shared>>
      tpu.enqueue_indirect_dma source(%arg9 : memref<128x128xf32, #tpu.memory_space<vmem>>) target(%dma_start3A_88 : memref<10240x128xf32, #tpu.memory_space<vmem_shared>>) offsets(%dma_start3A_85 : memref<128xi32, #tpu.memory_space<vmem>>) semaphore(%arg14 : memref<!tpu.dma_semaphore, #tpu.memory_space<semaphore_mem>>) {add = true}
      %add3A_89 = arith.constant 1 : i32
      %add3A_90 = arith.addi %mul3A_66, %add3A_89 : i32
      %dma_wait3A_91 = arith.constant 0 : i32
      %dma_wait3A_92 = tpu.memref_slice %arg7[%add3A_90, %dma_wait3A_91] : memref<40x128xi32, #tpu.memory_space<vmem>> -> memref<1x128xi32, #tpu.memory_space<vmem>>
      %dma_wait3A_93 = tpu.memref_squeeze %dma_wait3A_92 : memref<1x128xi32, #tpu.memory_space<vmem>> -> memref<128xi32, #tpu.memory_space<vmem>>
      %dma_wait3A_94 = arith.constant 0 : i32
      %dma_wait3A_95 = arith.constant 0 : i32
      %dma_wait3A_96 = tpu.memref_slice %arg2[%dma_wait3A_94, %dma_wait3A_95] : memref<10240x128xf32, #tpu.memory_space<hbm>> -> memref<10240x128xf32, #tpu.memory_space<hbm>>
      tpu.wait_indirect_dma semaphore(%arg13 : memref<!tpu.dma_semaphore, #tpu.memory_space<semaphore_mem>>) src(%dma_wait3A_96 : memref<10240x128xf32, #tpu.memory_space<hbm>>) dst(%arg10 : memref<128x128xf32, #tpu.memory_space<vmem>>)
      %lt3A = arith.constant 19 : i32
      %lt3A_97 = arith.cmpi slt, %scan3A_63, %lt3A : i32
      %convert_element_type3A_98 = arith.extui %lt3A_97 : i1 to i32
      %cond3A_99 = arith.constant 0 : i32
      %cond3A_100 = arith.cmpi ne, %convert_element_type3A_98, %cond3A_99 : i32
      scf.if %cond3A_100 {
        %dma_wait3A_110 = arith.constant 0 : i32
        %dma_wait3A_111 = tpu.memref_slice %arg8[%mul3A_66, %dma_wait3A_110] : memref<40x128xi32, #tpu.memory_space<vmem>> -> memref<1x128xi32, #tpu.memory_space<vmem>>
        %dma_wait3A_112 = tpu.memref_squeeze %dma_wait3A_111 : memref<1x128xi32, #tpu.memory_space<vmem>> -> memref<128xi32, #tpu.memory_space<vmem>>
        %dma_wait3A_113 = arith.constant 0 : i32
        %dma_wait3A_114 = arith.constant 0 : i32
        %dma_wait3A_115 = tpu.memref_slice %arg11[%dma_wait3A_113, %dma_wait3A_114] : memref<10240x128xf32, #tpu.memory_space<vmem_shared>> -> memref<10240x128xf32, #tpu.memory_space<vmem_shared>>
        tpu.wait_indirect_dma semaphore(%arg14 : memref<!tpu.dma_semaphore, #tpu.memory_space<semaphore_mem>>) src(%arg9 : memref<128x128xf32, #tpu.memory_space<vmem>>) dst(%dma_wait3A_115 : memref<10240x128xf32, #tpu.memory_space<vmem_shared>>)
        %add3A_116 = arith.constant 2 : i32
        %add3A_117 = arith.addi %mul3A_66, %add3A_116 : i32
        %dma_start3A_118 = arith.constant 0 : i32
        %dma_start3A_119 = tpu.memref_slice %arg7[%add3A_117, %dma_start3A_118] : memref<40x128xi32, #tpu.memory_space<vmem>> -> memref<1x128xi32, #tpu.memory_space<vmem>>
        %dma_start3A_120 = tpu.memref_squeeze %dma_start3A_119 : memref<1x128xi32, #tpu.memory_space<vmem>> -> memref<128xi32, #tpu.memory_space<vmem>>
        %dma_start3A_121 = arith.constant 0 : i32
        %dma_start3A_122 = arith.constant 0 : i32
        %dma_start3A_123 = tpu.memref_slice %arg2[%dma_start3A_121, %dma_start3A_122] : memref<10240x128xf32, #tpu.memory_space<hbm>> -> memref<10240x128xf32, #tpu.memory_space<hbm>>
        tpu.enqueue_indirect_dma source(%dma_start3A_123 : memref<10240x128xf32, #tpu.memory_space<hbm>>) target(%arg9 : memref<128x128xf32, #tpu.memory_space<vmem>>) offsets(%dma_start3A_120 : memref<128xi32, #tpu.memory_space<vmem>>) semaphore(%arg12 : memref<!tpu.dma_semaphore, #tpu.memory_space<semaphore_mem>>)
      } else {
      }
      %add3A_101 = arith.constant 1 : i32
      %add3A_102 = arith.addi %mul3A_66, %add3A_101 : i32
      %dma_start3A_103 = arith.constant 0 : i32
      %dma_start3A_104 = tpu.memref_slice %arg8[%add3A_102, %dma_start3A_103] : memref<40x128xi32, #tpu.memory_space<vmem>> -> memref<1x128xi32, #tpu.memory_space<vmem>>
      %dma_start3A_105 = tpu.memref_squeeze %dma_start3A_104 : memref<1x128xi32, #tpu.memory_space<vmem>> -> memref<128xi32, #tpu.memory_space<vmem>>
      %dma_start3A_106 = arith.constant 0 : i32
      %dma_start3A_107 = arith.constant 0 : i32
      %dma_start3A_108 = tpu.memref_slice %arg11[%dma_start3A_106, %dma_start3A_107] : memref<10240x128xf32, #tpu.memory_space<vmem_shared>> -> memref<10240x128xf32, #tpu.memory_space<vmem_shared>>
      tpu.enqueue_indirect_dma source(%arg10 : memref<128x128xf32, #tpu.memory_space<vmem>>) target(%dma_start3A_108 : memref<10240x128xf32, #tpu.memory_space<vmem_shared>>) offsets(%dma_start3A_105 : memref<128xi32, #tpu.memory_space<vmem>>) semaphore(%arg15 : memref<!tpu.dma_semaphore, #tpu.memory_space<semaphore_mem>>) {add = true}
      %scan3A_109 = arith.constant 0 : i32
      scf.yield %scan3A_109 : i32
    }
    %scan3A_16 = arith.constant 20 : i32
    %dma_wait3A = arith.constant 38 : i32
    %dma_wait3A_17 = arith.constant 0 : i32
    %dma_wait3A_18 = tpu.memref_slice %arg8[%dma_wait3A, %dma_wait3A_17] : memref<40x128xi32, #tpu.memory_space<vmem>> -> memref<1x128xi32, #tpu.memory_space<vmem>>
    %dma_wait3A_19 = tpu.memref_squeeze %dma_wait3A_18 : memref<1x128xi32, #tpu.memory_space<vmem>> -> memref<128xi32, #tpu.memory_space<vmem>>
    %dma_wait3A_20 = arith.constant 0 : i32
    %dma_wait3A_21 = arith.constant 0 : i32
    %dma_wait3A_22 = tpu.memref_slice %arg11[%dma_wait3A_20, %dma_wait3A_21] : memref<10240x128xf32, #tpu.memory_space<vmem_shared>> -> memref<10240x128xf32, #tpu.memory_space<vmem_shared>>
    tpu.wait_indirect_dma semaphore(%arg14 : memref<!tpu.dma_semaphore, #tpu.memory_space<semaphore_mem>>) src(%arg9 : memref<128x128xf32, #tpu.memory_space<vmem>>) dst(%dma_wait3A_22 : memref<10240x128xf32, #tpu.memory_space<vmem_shared>>)
    %dma_wait3A_23 = arith.constant 39 : i32
    %dma_wait3A_24 = arith.constant 0 : i32
    %dma_wait3A_25 = tpu.memref_slice %arg8[%dma_wait3A_23, %dma_wait3A_24] : memref<40x128xi32, #tpu.memory_space<vmem>> -> memref<1x128xi32, #tpu.memory_space<vmem>>
    %dma_wait3A_26 = tpu.memref_squeeze %dma_wait3A_25 : memref<1x128xi32, #tpu.memory_space<vmem>> -> memref<128xi32, #tpu.memory_space<vmem>>
    %dma_wait3A_27 = arith.constant 0 : i32
    %dma_wait3A_28 = arith.constant 0 : i32
    %dma_wait3A_29 = tpu.memref_slice %arg11[%dma_wait3A_27, %dma_wait3A_28] : memref<10240x128xf32, #tpu.memory_space<vmem_shared>> -> memref<10240x128xf32, #tpu.memory_space<vmem_shared>>
    tpu.wait_indirect_dma semaphore(%arg15 : memref<!tpu.dma_semaphore, #tpu.memory_space<semaphore_mem>>) src(%arg10 : memref<128x128xf32, #tpu.memory_space<vmem>>) dst(%dma_wait3A_29 : memref<10240x128xf32, #tpu.memory_space<vmem_shared>>)
    "tpu.region"() ({
      %run_scoped3A = tpu.sem_alloc : memref<!tpu.dma_semaphore, #tpu.memory_space<semaphore_mem>>
      %dma_start3A_63 = arith.constant 40 : i32
      %dma_start3A_64 = arith.constant 0 : i32
      %dma_start3A_65 = tpu.memref_slice %arg4[%add3A, %dma_start3A_63, %dma_start3A_64] : memref<32x80x128xi32, #tpu.memory_space<hbm>> -> memref<1x40x128xi32, #tpu.memory_space<hbm>>
      %dma_start3A_66 = tpu.memref_squeeze %dma_start3A_65 : memref<1x40x128xi32, #tpu.memory_space<hbm>> -> memref<40x128xi32, #tpu.memory_space<hbm>>
      %dma_start3A_67 = arith.constant 40 : i32
      %dma_start3A_68 = arith.constant 0 : i32
      %dma_start3A_69 = tpu.memref_slice %arg4[%add3A, %dma_start3A_67, %dma_start3A_68] : memref<32x80x128xi32, #tpu.memory_space<hbm>> -> memref<1x40x128xi32, #tpu.memory_space<hbm>>
      %dma_start3A_70 = tpu.memref_squeeze %dma_start3A_69 : memref<1x40x128xi32, #tpu.memory_space<hbm>> -> memref<40x128xi32, #tpu.memory_space<hbm>>
      tpu.enqueue_dma source(%dma_start3A_70 : memref<40x128xi32, #tpu.memory_space<hbm>>) target(%arg7 : memref<40x128xi32, #tpu.memory_space<vmem>>) target_semaphore(%run_scoped3A : memref<!tpu.dma_semaphore, #tpu.memory_space<semaphore_mem>>)
      %dma_wait3A_71 = arith.constant 40 : i32
      %dma_wait3A_72 = arith.constant 0 : i32
      %dma_wait3A_73 = tpu.memref_slice %arg4[%add3A, %dma_wait3A_71, %dma_wait3A_72] : memref<32x80x128xi32, #tpu.memory_space<hbm>> -> memref<1x40x128xi32, #tpu.memory_space<hbm>>
      %dma_wait3A_74 = tpu.memref_squeeze %dma_wait3A_73 : memref<1x40x128xi32, #tpu.memory_space<hbm>> -> memref<40x128xi32, #tpu.memory_space<hbm>>
      %dma_wait3A_75 = arith.constant 40 : i32
      %dma_wait3A_76 = arith.constant 0 : i32
      %dma_wait3A_77 = tpu.memref_slice %arg4[%add3A, %dma_wait3A_75, %dma_wait3A_76] : memref<32x80x128xi32, #tpu.memory_space<hbm>> -> memref<1x40x128xi32, #tpu.memory_space<hbm>>
      %dma_wait3A_78 = tpu.memref_squeeze %dma_wait3A_77 : memref<1x40x128xi32, #tpu.memory_space<hbm>> -> memref<40x128xi32, #tpu.memory_space<hbm>>
      tpu.wait_dma2 semaphore(%run_scoped3A : memref<!tpu.dma_semaphore, #tpu.memory_space<semaphore_mem>>) src(%dma_wait3A_78 : memref<40x128xi32, #tpu.memory_space<hbm>>) dst(%arg7 : memref<40x128xi32, #tpu.memory_space<vmem>>)
      tpu.yield
    }) : () -> ()
    "tpu.region"() ({
      %run_scoped3A = tpu.sem_alloc : memref<!tpu.dma_semaphore, #tpu.memory_space<semaphore_mem>>
      %dma_start3A_63 = arith.constant 40 : i32
      %dma_start3A_64 = arith.constant 0 : i32
      %dma_start3A_65 = tpu.memref_slice %arg5[%add3A, %dma_start3A_63, %dma_start3A_64] : memref<32x80x128xi32, #tpu.memory_space<hbm>> -> memref<1x40x128xi32, #tpu.memory_space<hbm>>
      %dma_start3A_66 = tpu.memref_squeeze %dma_start3A_65 : memref<1x40x128xi32, #tpu.memory_space<hbm>> -> memref<40x128xi32, #tpu.memory_space<hbm>>
      %dma_start3A_67 = arith.constant 40 : i32
      %dma_start3A_68 = arith.constant 0 : i32
      %dma_start3A_69 = tpu.memref_slice %arg5[%add3A, %dma_start3A_67, %dma_start3A_68] : memref<32x80x128xi32, #tpu.memory_space<hbm>> -> memref<1x40x128xi32, #tpu.memory_space<hbm>>
      %dma_start3A_70 = tpu.memref_squeeze %dma_start3A_69 : memref<1x40x128xi32, #tpu.memory_space<hbm>> -> memref<40x128xi32, #tpu.memory_space<hbm>>
      tpu.enqueue_dma source(%dma_start3A_70 : memref<40x128xi32, #tpu.memory_space<hbm>>) target(%arg8 : memref<40x128xi32, #tpu.memory_space<vmem>>) target_semaphore(%run_scoped3A : memref<!tpu.dma_semaphore, #tpu.memory_space<semaphore_mem>>)
      %dma_wait3A_71 = arith.constant 40 : i32
      %dma_wait3A_72 = arith.constant 0 : i32
      %dma_wait3A_73 = tpu.memref_slice %arg5[%add3A, %dma_wait3A_71, %dma_wait3A_72] : memref<32x80x128xi32, #tpu.memory_space<hbm>> -> memref<1x40x128xi32, #tpu.memory_space<hbm>>
      %dma_wait3A_74 = tpu.memref_squeeze %dma_wait3A_73 : memref<1x40x128xi32, #tpu.memory_space<hbm>> -> memref<40x128xi32, #tpu.memory_space<hbm>>
      %dma_wait3A_75 = arith.constant 40 : i32
      %dma_wait3A_76 = arith.constant 0 : i32
      %dma_wait3A_77 = tpu.memref_slice %arg5[%add3A, %dma_wait3A_75, %dma_wait3A_76] : memref<32x80x128xi32, #tpu.memory_space<hbm>> -> memref<1x40x128xi32, #tpu.memory_space<hbm>>
      %dma_wait3A_78 = tpu.memref_squeeze %dma_wait3A_77 : memref<1x40x128xi32, #tpu.memory_space<hbm>> -> memref<40x128xi32, #tpu.memory_space<hbm>>
      tpu.wait_dma2 semaphore(%run_scoped3A : memref<!tpu.dma_semaphore, #tpu.memory_space<semaphore_mem>>) src(%dma_wait3A_78 : memref<40x128xi32, #tpu.memory_space<hbm>>) dst(%arg8 : memref<40x128xi32, #tpu.memory_space<vmem>>)
      tpu.yield
    }) : () -> ()
    %dma_start3A_30 = arith.constant 0 : i32
    %dma_start3A_31 = arith.constant 0 : i32
    %dma_start3A_32 = tpu.memref_slice %arg7[%dma_start3A_30, %dma_start3A_31] : memref<40x128xi32, #tpu.memory_space<vmem>> -> memref<1x128xi32, #tpu.memory_space<vmem>>
    %dma_start3A_33 = tpu.memref_squeeze %dma_start3A_32 : memref<1x128xi32, #tpu.memory_space<vmem>> -> memref<128xi32, #tpu.memory_space<vmem>>
    %dma_start3A_34 = arith.constant 0 : i32
    %dma_start3A_35 = arith.constant 0 : i32
    %dma_start3A_36 = tpu.memref_slice %arg2[%dma_start3A_34, %dma_start3A_35] : memref<10240x128xf32, #tpu.memory_space<hbm>> -> memref<10240x128xf32, #tpu.memory_space<hbm>>
    tpu.enqueue_indirect_dma source(%dma_start3A_36 : memref<10240x128xf32, #tpu.memory_space<hbm>>) target(%arg9 : memref<128x128xf32, #tpu.memory_space<vmem>>) offsets(%dma_start3A_33 : memref<128xi32, #tpu.memory_space<vmem>>) semaphore(%arg12 : memref<!tpu.dma_semaphore, #tpu.memory_space<semaphore_mem>>)
    %scan3A_37 = arith.constant 0 : i32
    %scan3A_38 = arith.constant 0 : i32
    %scan3A_39 = arith.constant 20 : i32
    %scan3A_40 = arith.addi %scan3A_38, %scan3A_39 : i32
    %scan3A_41 = arith.constant 1 : i32
    %scan3A_42 = scf.for %scan3A_63 = %scan3A_38 to %scan3A_40 step %scan3A_41 iter_args(%scan3A_64 = %scan3A_37) -> (i32)  : i32 {
      %mul3A_65 = arith.constant 2 : i32
      %mul3A_66 = arith.muli %mul3A_65, %scan3A_63 : i32
      %dma_wait3A_67 = arith.constant 0 : i32
      %dma_wait3A_68 = tpu.memref_slice %arg7[%mul3A_66, %dma_wait3A_67] : memref<40x128xi32, #tpu.memory_space<vmem>> -> memref<1x128xi32, #tpu.memory_space<vmem>>
      %dma_wait3A_69 = tpu.memref_squeeze %dma_wait3A_68 : memref<1x128xi32, #tpu.memory_space<vmem>> -> memref<128xi32, #tpu.memory_space<vmem>>
      %dma_wait3A_70 = arith.constant 0 : i32
      %dma_wait3A_71 = arith.constant 0 : i32
      %dma_wait3A_72 = tpu.memref_slice %arg2[%dma_wait3A_70, %dma_wait3A_71] : memref<10240x128xf32, #tpu.memory_space<hbm>> -> memref<10240x128xf32, #tpu.memory_space<hbm>>
      tpu.wait_indirect_dma semaphore(%arg12 : memref<!tpu.dma_semaphore, #tpu.memory_space<semaphore_mem>>) src(%dma_wait3A_72 : memref<10240x128xf32, #tpu.memory_space<hbm>>) dst(%arg9 : memref<128x128xf32, #tpu.memory_space<vmem>>)
      %gt3A = arith.constant 0 : i32
      %gt3A_73 = arith.cmpi sgt, %scan3A_63, %gt3A : i32
      %convert_element_type3A = arith.extui %gt3A_73 : i1 to i32
      %cond3A = arith.constant 0 : i32
      %cond3A_74 = arith.cmpi ne, %convert_element_type3A, %cond3A : i32
      scf.if %cond3A_74 {
        %sub3A = arith.constant 1 : i32
        %sub3A_110 = arith.subi %mul3A_66, %sub3A : i32
        %dma_wait3A_111 = arith.constant 0 : i32
        %dma_wait3A_112 = tpu.memref_slice %arg8[%sub3A_110, %dma_wait3A_111] : memref<40x128xi32, #tpu.memory_space<vmem>> -> memref<1x128xi32, #tpu.memory_space<vmem>>
        %dma_wait3A_113 = tpu.memref_squeeze %dma_wait3A_112 : memref<1x128xi32, #tpu.memory_space<vmem>> -> memref<128xi32, #tpu.memory_space<vmem>>
        %dma_wait3A_114 = arith.constant 0 : i32
        %dma_wait3A_115 = arith.constant 0 : i32
        %dma_wait3A_116 = tpu.memref_slice %arg11[%dma_wait3A_114, %dma_wait3A_115] : memref<10240x128xf32, #tpu.memory_space<vmem_shared>> -> memref<10240x128xf32, #tpu.memory_space<vmem_shared>>
        tpu.wait_indirect_dma semaphore(%arg15 : memref<!tpu.dma_semaphore, #tpu.memory_space<semaphore_mem>>) src(%arg10 : memref<128x128xf32, #tpu.memory_space<vmem>>) dst(%dma_wait3A_116 : memref<10240x128xf32, #tpu.memory_space<vmem_shared>>)
      } else {
      }
      %add3A_75 = arith.constant 1 : i32
      %add3A_76 = arith.addi %mul3A_66, %add3A_75 : i32
      %dma_start3A_77 = arith.constant 0 : i32
      %dma_start3A_78 = tpu.memref_slice %arg7[%add3A_76, %dma_start3A_77] : memref<40x128xi32, #tpu.memory_space<vmem>> -> memref<1x128xi32, #tpu.memory_space<vmem>>
      %dma_start3A_79 = tpu.memref_squeeze %dma_start3A_78 : memref<1x128xi32, #tpu.memory_space<vmem>> -> memref<128xi32, #tpu.memory_space<vmem>>
      %dma_start3A_80 = arith.constant 0 : i32
      %dma_start3A_81 = arith.constant 0 : i32
      %dma_start3A_82 = tpu.memref_slice %arg2[%dma_start3A_80, %dma_start3A_81] : memref<10240x128xf32, #tpu.memory_space<hbm>> -> memref<10240x128xf32, #tpu.memory_space<hbm>>
      tpu.enqueue_indirect_dma source(%dma_start3A_82 : memref<10240x128xf32, #tpu.memory_space<hbm>>) target(%arg10 : memref<128x128xf32, #tpu.memory_space<vmem>>) offsets(%dma_start3A_79 : memref<128xi32, #tpu.memory_space<vmem>>) semaphore(%arg13 : memref<!tpu.dma_semaphore, #tpu.memory_space<semaphore_mem>>)
      %dma_start3A_83 = arith.constant 0 : i32
      %dma_start3A_84 = tpu.memref_slice %arg8[%mul3A_66, %dma_start3A_83] : memref<40x128xi32, #tpu.memory_space<vmem>> -> memref<1x128xi32, #tpu.memory_space<vmem>>
      %dma_start3A_85 = tpu.memref_squeeze %dma_start3A_84 : memref<1x128xi32, #tpu.memory_space<vmem>> -> memref<128xi32, #tpu.memory_space<vmem>>
      %dma_start3A_86 = arith.constant 0 : i32
      %dma_start3A_87 = arith.constant 0 : i32
      %dma_start3A_88 = tpu.memref_slice %arg11[%dma_start3A_86, %dma_start3A_87] : memref<10240x128xf32, #tpu.memory_space<vmem_shared>> -> memref<10240x128xf32, #tpu.memory_space<vmem_shared>>
      tpu.enqueue_indirect_dma source(%arg9 : memref<128x128xf32, #tpu.memory_space<vmem>>) target(%dma_start3A_88 : memref<10240x128xf32, #tpu.memory_space<vmem_shared>>) offsets(%dma_start3A_85 : memref<128xi32, #tpu.memory_space<vmem>>) semaphore(%arg14 : memref<!tpu.dma_semaphore, #tpu.memory_space<semaphore_mem>>) {add = true}
      %add3A_89 = arith.constant 1 : i32
      %add3A_90 = arith.addi %mul3A_66, %add3A_89 : i32
      %dma_wait3A_91 = arith.constant 0 : i32
      %dma_wait3A_92 = tpu.memref_slice %arg7[%add3A_90, %dma_wait3A_91] : memref<40x128xi32, #tpu.memory_space<vmem>> -> memref<1x128xi32, #tpu.memory_space<vmem>>
      %dma_wait3A_93 = tpu.memref_squeeze %dma_wait3A_92 : memref<1x128xi32, #tpu.memory_space<vmem>> -> memref<128xi32, #tpu.memory_space<vmem>>
      %dma_wait3A_94 = arith.constant 0 : i32
      %dma_wait3A_95 = arith.constant 0 : i32
      %dma_wait3A_96 = tpu.memref_slice %arg2[%dma_wait3A_94, %dma_wait3A_95] : memref<10240x128xf32, #tpu.memory_space<hbm>> -> memref<10240x128xf32, #tpu.memory_space<hbm>>
      tpu.wait_indirect_dma semaphore(%arg13 : memref<!tpu.dma_semaphore, #tpu.memory_space<semaphore_mem>>) src(%dma_wait3A_96 : memref<10240x128xf32, #tpu.memory_space<hbm>>) dst(%arg10 : memref<128x128xf32, #tpu.memory_space<vmem>>)
      %lt3A = arith.constant 19 : i32
      %lt3A_97 = arith.cmpi slt, %scan3A_63, %lt3A : i32
      %convert_element_type3A_98 = arith.extui %lt3A_97 : i1 to i32
      %cond3A_99 = arith.constant 0 : i32
      %cond3A_100 = arith.cmpi ne, %convert_element_type3A_98, %cond3A_99 : i32
      scf.if %cond3A_100 {
        %dma_wait3A_110 = arith.constant 0 : i32
        %dma_wait3A_111 = tpu.memref_slice %arg8[%mul3A_66, %dma_wait3A_110] : memref<40x128xi32, #tpu.memory_space<vmem>> -> memref<1x128xi32, #tpu.memory_space<vmem>>
        %dma_wait3A_112 = tpu.memref_squeeze %dma_wait3A_111 : memref<1x128xi32, #tpu.memory_space<vmem>> -> memref<128xi32, #tpu.memory_space<vmem>>
        %dma_wait3A_113 = arith.constant 0 : i32
        %dma_wait3A_114 = arith.constant 0 : i32
        %dma_wait3A_115 = tpu.memref_slice %arg11[%dma_wait3A_113, %dma_wait3A_114] : memref<10240x128xf32, #tpu.memory_space<vmem_shared>> -> memref<10240x128xf32, #tpu.memory_space<vmem_shared>>
        tpu.wait_indirect_dma semaphore(%arg14 : memref<!tpu.dma_semaphore, #tpu.memory_space<semaphore_mem>>) src(%arg9 : memref<128x128xf32, #tpu.memory_space<vmem>>) dst(%dma_wait3A_115 : memref<10240x128xf32, #tpu.memory_space<vmem_shared>>)
        %add3A_116 = arith.constant 2 : i32
        %add3A_117 = arith.addi %mul3A_66, %add3A_116 : i32
        %dma_start3A_118 = arith.constant 0 : i32
        %dma_start3A_119 = tpu.memref_slice %arg7[%add3A_117, %dma_start3A_118] : memref<40x128xi32, #tpu.memory_space<vmem>> -> memref<1x128xi32, #tpu.memory_space<vmem>>
        %dma_start3A_120 = tpu.memref_squeeze %dma_start3A_119 : memref<1x128xi32, #tpu.memory_space<vmem>> -> memref<128xi32, #tpu.memory_space<vmem>>
        %dma_start3A_121 = arith.constant 0 : i32
        %dma_start3A_122 = arith.constant 0 : i32
        %dma_start3A_123 = tpu.memref_slice %arg2[%dma_start3A_121, %dma_start3A_122] : memref<10240x128xf32, #tpu.memory_space<hbm>> -> memref<10240x128xf32, #tpu.memory_space<hbm>>
        tpu.enqueue_indirect_dma source(%dma_start3A_123 : memref<10240x128xf32, #tpu.memory_space<hbm>>) target(%arg9 : memref<128x128xf32, #tpu.memory_space<vmem>>) offsets(%dma_start3A_120 : memref<128xi32, #tpu.memory_space<vmem>>) semaphore(%arg12 : memref<!tpu.dma_semaphore, #tpu.memory_space<semaphore_mem>>)
      } else {
      }
      %add3A_101 = arith.constant 1 : i32
      %add3A_102 = arith.addi %mul3A_66, %add3A_101 : i32
      %dma_start3A_103 = arith.constant 0 : i32
      %dma_start3A_104 = tpu.memref_slice %arg8[%add3A_102, %dma_start3A_103] : memref<40x128xi32, #tpu.memory_space<vmem>> -> memref<1x128xi32, #tpu.memory_space<vmem>>
      %dma_start3A_105 = tpu.memref_squeeze %dma_start3A_104 : memref<1x128xi32, #tpu.memory_space<vmem>> -> memref<128xi32, #tpu.memory_space<vmem>>
      %dma_start3A_106 = arith.constant 0 : i32
      %dma_start3A_107 = arith.constant 0 : i32
      %dma_start3A_108 = tpu.memref_slice %arg11[%dma_start3A_106, %dma_start3A_107] : memref<10240x128xf32, #tpu.memory_space<vmem_shared>> -> memref<10240x128xf32, #tpu.memory_space<vmem_shared>>
      tpu.enqueue_indirect_dma source(%arg10 : memref<128x128xf32, #tpu.memory_space<vmem>>) target(%dma_start3A_108 : memref<10240x128xf32, #tpu.memory_space<vmem_shared>>) offsets(%dma_start3A_105 : memref<128xi32, #tpu.memory_space<vmem>>) semaphore(%arg15 : memref<!tpu.dma_semaphore, #tpu.memory_space<semaphore_mem>>) {add = true}
      %scan3A_109 = arith.constant 0 : i32
      scf.yield %scan3A_109 : i32
    }
    %scan3A_43 = arith.constant 20 : i32
    %dma_wait3A_44 = arith.constant 38 : i32
    %dma_wait3A_45 = arith.constant 0 : i32
    %dma_wait3A_46 = tpu.memref_slice %arg8[%dma_wait3A_44, %dma_wait3A_45] : memref<40x128xi32, #tpu.memory_space<vmem>> -> memref<1x128xi32, #tpu.memory_space<vmem>>
    %dma_wait3A_47 = tpu.memref_squeeze %dma_wait3A_46 : memref<1x128xi32, #tpu.memory_space<vmem>> -> memref<128xi32, #tpu.memory_space<vmem>>
    %dma_wait3A_48 = arith.constant 0 : i32
    %dma_wait3A_49 = arith.constant 0 : i32
    %dma_wait3A_50 = tpu.memref_slice %arg11[%dma_wait3A_48, %dma_wait3A_49] : memref<10240x128xf32, #tpu.memory_space<vmem_shared>> -> memref<10240x128xf32, #tpu.memory_space<vmem_shared>>
    tpu.wait_indirect_dma semaphore(%arg14 : memref<!tpu.dma_semaphore, #tpu.memory_space<semaphore_mem>>) src(%arg9 : memref<128x128xf32, #tpu.memory_space<vmem>>) dst(%dma_wait3A_50 : memref<10240x128xf32, #tpu.memory_space<vmem_shared>>)
    %dma_wait3A_51 = arith.constant 39 : i32
    %dma_wait3A_52 = arith.constant 0 : i32
    %dma_wait3A_53 = tpu.memref_slice %arg8[%dma_wait3A_51, %dma_wait3A_52] : memref<40x128xi32, #tpu.memory_space<vmem>> -> memref<1x128xi32, #tpu.memory_space<vmem>>
    %dma_wait3A_54 = tpu.memref_squeeze %dma_wait3A_53 : memref<1x128xi32, #tpu.memory_space<vmem>> -> memref<128xi32, #tpu.memory_space<vmem>>
    %dma_wait3A_55 = arith.constant 0 : i32
    %dma_wait3A_56 = arith.constant 0 : i32
    %dma_wait3A_57 = tpu.memref_slice %arg11[%dma_wait3A_55, %dma_wait3A_56] : memref<10240x128xf32, #tpu.memory_space<vmem_shared>> -> memref<10240x128xf32, #tpu.memory_space<vmem_shared>>
    tpu.wait_indirect_dma semaphore(%arg15 : memref<!tpu.dma_semaphore, #tpu.memory_space<semaphore_mem>>) src(%arg10 : memref<128x128xf32, #tpu.memory_space<vmem>>) dst(%dma_wait3A_57 : memref<10240x128xf32, #tpu.memory_space<vmem_shared>>)
    %barrier3A_58 = arith.constant 0 : index
    tpu.barrier barrier_id(%barrier3A_58)
    %mul3A_59 = arith.constant 640 : i32
    %mul3A_60 = arith.muli %arg1, %mul3A_59 : i32
    %mul3A_61 = arith.constant 640 : i32
    %mul3A_62 = arith.muli %arg1, %mul3A_61 : i32
    "tpu.region"() ({
      %run_scoped3A = tpu.sem_alloc : memref<!tpu.dma_semaphore, #tpu.memory_space<semaphore_mem>>
      %dma_start3A_63 = arith.constant 0 : i32
      %dma_start3A_64 = tpu.memref_slice %arg6[%arg0, %mul3A_62, %dma_start3A_63] : memref<2x10240x128xf32, #tpu.memory_space<hbm>> -> memref<1x640x128xf32, #tpu.memory_space<hbm>>
      %dma_start3A_65 = tpu.memref_squeeze %dma_start3A_64 : memref<1x640x128xf32, #tpu.memory_space<hbm>> -> memref<640x128xf32, #tpu.memory_space<hbm>>
      %dma_start3A_66 = arith.constant 0 : i32
      %dma_start3A_67 = tpu.memref_slice %arg11[%mul3A_60, %dma_start3A_66] : memref<10240x128xf32, #tpu.memory_space<vmem_shared>> -> memref<640x128xf32, #tpu.memory_space<vmem_shared>>
      tpu.enqueue_dma source(%dma_start3A_67 : memref<640x128xf32, #tpu.memory_space<vmem_shared>>) target(%dma_start3A_65 : memref<640x128xf32, #tpu.memory_space<hbm>>) target_semaphore(%run_scoped3A : memref<!tpu.dma_semaphore, #tpu.memory_space<semaphore_mem>>)
      %dma_wait3A_68 = arith.constant 0 : i32
      %dma_wait3A_69 = tpu.memref_slice %arg6[%arg0, %mul3A_62, %dma_wait3A_68] : memref<2x10240x128xf32, #tpu.memory_space<hbm>> -> memref<1x640x128xf32, #tpu.memory_space<hbm>>
      %dma_wait3A_70 = tpu.memref_squeeze %dma_wait3A_69 : memref<1x640x128xf32, #tpu.memory_space<hbm>> -> memref<640x128xf32, #tpu.memory_space<hbm>>
      %dma_wait3A_71 = arith.constant 0 : i32
      %dma_wait3A_72 = tpu.memref_slice %arg11[%mul3A_60, %dma_wait3A_71] : memref<10240x128xf32, #tpu.memory_space<vmem_shared>> -> memref<640x128xf32, #tpu.memory_space<vmem_shared>>
      tpu.wait_dma2 semaphore(%run_scoped3A : memref<!tpu.dma_semaphore, #tpu.memory_space<semaphore_mem>>) src(%dma_wait3A_72 : memref<640x128xf32, #tpu.memory_space<vmem_shared>>) dst(%dma_wait3A_70 : memref<640x128xf32, #tpu.memory_space<hbm>>)
      tpu.yield
    }) : () -> ()
    return
  }
}

#map = affine_map<(d0, d1) -> (0, 0)>
#map1 = affine_map<(d0, d1) -> (0, 0, 0)>
module attributes {stable_mosaic.version = 14 : i64} {
  func.func @_sc_edge_scatter(%arg0: i32, %arg1: i32, %arg2: memref<10240x128xf32, #tpu.memory_space<hbm>>, %arg3: memref<10240x128xf32, #tpu.memory_space<hbm>>, %arg4: memref<32x80x128xi32, #tpu.memory_space<hbm>>, %arg5: memref<32x80x128xi32, #tpu.memory_space<hbm>>, %arg6: memref<2x10240x128xf32, #tpu.memory_space<hbm>>, %arg7: memref<40x128xi32, #tpu.memory_space<vmem>>, %arg8: memref<40x128xi32, #tpu.memory_space<vmem>>, %arg9: memref<128x128xf32, #tpu.memory_space<vmem>>, %arg10: memref<128x128xf32, #tpu.memory_space<vmem>>, %arg11: memref<10240x128xf32, #tpu.memory_space<vmem_shared>>, %arg12: memref<!tpu.dma_semaphore, #tpu.memory_space<semaphore_mem>>, %arg13: memref<!tpu.dma_semaphore, #tpu.memory_space<semaphore_mem>>, %arg14: memref<!tpu.dma_semaphore, #tpu.memory_space<semaphore_mem>>, %arg15: memref<!tpu.dma_semaphore, #tpu.memory_space<semaphore_mem>>) attributes {dimension_semantics = [#tpu.dimension_semantics<core_parallel>, #tpu.dimension_semantics<subcore_parallel>], iteration_bounds = array<i64: 2, 16>, scalar_prefetch = 0 : i64, scratch_operands = 9 : i64, tpu.core_type = #tpu.core_type<sc_vector_subcore>, window_params = [{transform_indices = #map}, {transform_indices = #map}, {transform_indices = #map1}, {transform_indices = #map1}, {transform_indices = #map1}]} {
    %mul3A = arith.constant 2 : i32
    %mul3A_0 = arith.muli %arg1, %mul3A : i32
    %add3A = arith.addi %mul3A_0, %arg0 : i32
    %mul3A_1 = arith.constant 640 : i32
    %mul3A_2 = arith.muli %arg1, %mul3A_1 : i32
    %mul3A_3 = arith.constant 640 : i32
    %mul3A_4 = arith.muli %arg1, %mul3A_3 : i32
    "tpu.region"() ({
      %run_scoped3A = tpu.sem_alloc : memref<!tpu.dma_semaphore, #tpu.memory_space<semaphore_mem>>
      %dma_start3A_63 = arith.constant 0 : i32
      %dma_start3A_64 = tpu.memref_slice %arg11[%mul3A_4, %dma_start3A_63] : memref<10240x128xf32, #tpu.memory_space<vmem_shared>> -> memref<640x128xf32, #tpu.memory_space<vmem_shared>>
      %dma_start3A_65 = arith.constant 0 : i32
      %dma_start3A_66 = tpu.memref_slice %arg3[%mul3A_2, %dma_start3A_65] : memref<10240x128xf32, #tpu.memory_space<hbm>> -> memref<640x128xf32, #tpu.memory_space<hbm>>
      tpu.enqueue_dma source(%dma_start3A_66 : memref<640x128xf32, #tpu.memory_space<hbm>>) target(%dma_start3A_64 : memref<640x128xf32, #tpu.memory_space<vmem_shared>>) target_semaphore(%run_scoped3A : memref<!tpu.dma_semaphore, #tpu.memory_space<semaphore_mem>>)
      %dma_wait3A_67 = arith.constant 0 : i32
      %dma_wait3A_68 = tpu.memref_slice %arg11[%mul3A_4, %dma_wait3A_67] : memref<10240x128xf32, #tpu.memory_space<vmem_shared>> -> memref<640x128xf32, #tpu.memory_space<vmem_shared>>
      %dma_wait3A_69 = arith.constant 0 : i32
      %dma_wait3A_70 = tpu.memref_slice %arg3[%mul3A_2, %dma_wait3A_69] : memref<10240x128xf32, #tpu.memory_space<hbm>> -> memref<640x128xf32, #tpu.memory_space<hbm>>
      tpu.wait_dma2 semaphore(%run_scoped3A : memref<!tpu.dma_semaphore, #tpu.memory_space<semaphore_mem>>) src(%dma_wait3A_70 : memref<640x128xf32, #tpu.memory_space<hbm>>) dst(%dma_wait3A_68 : memref<640x128xf32, #tpu.memory_space<vmem_shared>>)
      tpu.yield
    }) : () -> ()
    %barrier3A = arith.constant 0 : index
    tpu.barrier barrier_id(%barrier3A)
    "tpu.region"() ({
      %run_scoped3A = tpu.sem_alloc : memref<!tpu.dma_semaphore, #tpu.memory_space<semaphore_mem>>
      %dma_start3A_63 = arith.constant 0 : i32
      %dma_start3A_64 = arith.constant 0 : i32
      %dma_start3A_65 = tpu.memref_slice %arg4[%add3A, %dma_start3A_63, %dma_start3A_64] : memref<32x80x128xi32, #tpu.memory_space<hbm>> -> memref<1x40x128xi32, #tpu.memory_space<hbm>>
      %dma_start3A_66 = tpu.memref_squeeze %dma_start3A_65 : memref<1x40x128xi32, #tpu.memory_space<hbm>> -> memref<40x128xi32, #tpu.memory_space<hbm>>
      %dma_start3A_67 = arith.constant 0 : i32
      %dma_start3A_68 = arith.constant 0 : i32
      %dma_start3A_69 = tpu.memref_slice %arg4[%add3A, %dma_start3A_67, %dma_start3A_68] : memref<32x80x128xi32, #tpu.memory_space<hbm>> -> memref<1x40x128xi32, #tpu.memory_space<hbm>>
      %dma_start3A_70 = tpu.memref_squeeze %dma_start3A_69 : memref<1x40x128xi32, #tpu.memory_space<hbm>> -> memref<40x128xi32, #tpu.memory_space<hbm>>
      tpu.enqueue_dma source(%dma_start3A_70 : memref<40x128xi32, #tpu.memory_space<hbm>>) target(%arg7 : memref<40x128xi32, #tpu.memory_space<vmem>>) target_semaphore(%run_scoped3A : memref<!tpu.dma_semaphore, #tpu.memory_space<semaphore_mem>>)
      %dma_wait3A_71 = arith.constant 0 : i32
      %dma_wait3A_72 = arith.constant 0 : i32
      %dma_wait3A_73 = tpu.memref_slice %arg4[%add3A, %dma_wait3A_71, %dma_wait3A_72] : memref<32x80x128xi32, #tpu.memory_space<hbm>> -> memref<1x40x128xi32, #tpu.memory_space<hbm>>
      %dma_wait3A_74 = tpu.memref_squeeze %dma_wait3A_73 : memref<1x40x128xi32, #tpu.memory_space<hbm>> -> memref<40x128xi32, #tpu.memory_space<hbm>>
      %dma_wait3A_75 = arith.constant 0 : i32
      %dma_wait3A_76 = arith.constant 0 : i32
      %dma_wait3A_77 = tpu.memref_slice %arg4[%add3A, %dma_wait3A_75, %dma_wait3A_76] : memref<32x80x128xi32, #tpu.memory_space<hbm>> -> memref<1x40x128xi32, #tpu.memory_space<hbm>>
      %dma_wait3A_78 = tpu.memref_squeeze %dma_wait3A_77 : memref<1x40x128xi32, #tpu.memory_space<hbm>> -> memref<40x128xi32, #tpu.memory_space<hbm>>
      tpu.wait_dma2 semaphore(%run_scoped3A : memref<!tpu.dma_semaphore, #tpu.memory_space<semaphore_mem>>) src(%dma_wait3A_78 : memref<40x128xi32, #tpu.memory_space<hbm>>) dst(%arg7 : memref<40x128xi32, #tpu.memory_space<vmem>>)
      tpu.yield
    }) : () -> ()
    "tpu.region"() ({
      %run_scoped3A = tpu.sem_alloc : memref<!tpu.dma_semaphore, #tpu.memory_space<semaphore_mem>>
      %dma_start3A_63 = arith.constant 0 : i32
      %dma_start3A_64 = arith.constant 0 : i32
      %dma_start3A_65 = tpu.memref_slice %arg5[%add3A, %dma_start3A_63, %dma_start3A_64] : memref<32x80x128xi32, #tpu.memory_space<hbm>> -> memref<1x40x128xi32, #tpu.memory_space<hbm>>
      %dma_start3A_66 = tpu.memref_squeeze %dma_start3A_65 : memref<1x40x128xi32, #tpu.memory_space<hbm>> -> memref<40x128xi32, #tpu.memory_space<hbm>>
      %dma_start3A_67 = arith.constant 0 : i32
      %dma_start3A_68 = arith.constant 0 : i32
      %dma_start3A_69 = tpu.memref_slice %arg5[%add3A, %dma_start3A_67, %dma_start3A_68] : memref<32x80x128xi32, #tpu.memory_space<hbm>> -> memref<1x40x128xi32, #tpu.memory_space<hbm>>
      %dma_start3A_70 = tpu.memref_squeeze %dma_start3A_69 : memref<1x40x128xi32, #tpu.memory_space<hbm>> -> memref<40x128xi32, #tpu.memory_space<hbm>>
      tpu.enqueue_dma source(%dma_start3A_70 : memref<40x128xi32, #tpu.memory_space<hbm>>) target(%arg8 : memref<40x128xi32, #tpu.memory_space<vmem>>) target_semaphore(%run_scoped3A : memref<!tpu.dma_semaphore, #tpu.memory_space<semaphore_mem>>)
      %dma_wait3A_71 = arith.constant 0 : i32
      %dma_wait3A_72 = arith.constant 0 : i32
      %dma_wait3A_73 = tpu.memref_slice %arg5[%add3A, %dma_wait3A_71, %dma_wait3A_72] : memref<32x80x128xi32, #tpu.memory_space<hbm>> -> memref<1x40x128xi32, #tpu.memory_space<hbm>>
      %dma_wait3A_74 = tpu.memref_squeeze %dma_wait3A_73 : memref<1x40x128xi32, #tpu.memory_space<hbm>> -> memref<40x128xi32, #tpu.memory_space<hbm>>
      %dma_wait3A_75 = arith.constant 0 : i32
      %dma_wait3A_76 = arith.constant 0 : i32
      %dma_wait3A_77 = tpu.memref_slice %arg5[%add3A, %dma_wait3A_75, %dma_wait3A_76] : memref<32x80x128xi32, #tpu.memory_space<hbm>> -> memref<1x40x128xi32, #tpu.memory_space<hbm>>
      %dma_wait3A_78 = tpu.memref_squeeze %dma_wait3A_77 : memref<1x40x128xi32, #tpu.memory_space<hbm>> -> memref<40x128xi32, #tpu.memory_space<hbm>>
      tpu.wait_dma2 semaphore(%run_scoped3A : memref<!tpu.dma_semaphore, #tpu.memory_space<semaphore_mem>>) src(%dma_wait3A_78 : memref<40x128xi32, #tpu.memory_space<hbm>>) dst(%arg8 : memref<40x128xi32, #tpu.memory_space<vmem>>)
      tpu.yield
    }) : () -> ()
    %dma_start3A = arith.constant 0 : i32
    %dma_start3A_5 = arith.constant 0 : i32
    %dma_start3A_6 = tpu.memref_slice %arg7[%dma_start3A, %dma_start3A_5] : memref<40x128xi32, #tpu.memory_space<vmem>> -> memref<1x128xi32, #tpu.memory_space<vmem>>
    %dma_start3A_7 = tpu.memref_squeeze %dma_start3A_6 : memref<1x128xi32, #tpu.memory_space<vmem>> -> memref<128xi32, #tpu.memory_space<vmem>>
    %dma_start3A_8 = arith.constant 0 : i32
    %dma_start3A_9 = arith.constant 0 : i32
    %dma_start3A_10 = tpu.memref_slice %arg2[%dma_start3A_8, %dma_start3A_9] : memref<10240x128xf32, #tpu.memory_space<hbm>> -> memref<10240x128xf32, #tpu.memory_space<hbm>>
    tpu.enqueue_indirect_dma source(%dma_start3A_10 : memref<10240x128xf32, #tpu.memory_space<hbm>>) target(%arg9 : memref<128x128xf32, #tpu.memory_space<vmem>>) offsets(%dma_start3A_7 : memref<128xi32, #tpu.memory_space<vmem>>) semaphore(%arg12 : memref<!tpu.dma_semaphore, #tpu.memory_space<semaphore_mem>>)
    %scan3A = arith.constant 0 : i32
    %scan3A_11 = arith.constant 0 : i32
    %scan3A_12 = arith.constant 20 : i32
    %scan3A_13 = arith.addi %scan3A_11, %scan3A_12 : i32
    %scan3A_14 = arith.constant 1 : i32
    %scan3A_15 = scf.for %scan3A_63 = %scan3A_11 to %scan3A_13 step %scan3A_14 iter_args(%scan3A_64 = %scan3A) -> (i32)  : i32 {
      %mul3A_65 = arith.constant 2 : i32
      %mul3A_66 = arith.muli %mul3A_65, %scan3A_63 : i32
      %dma_wait3A_67 = arith.constant 0 : i32
      %dma_wait3A_68 = tpu.memref_slice %arg7[%mul3A_66, %dma_wait3A_67] : memref<40x128xi32, #tpu.memory_space<vmem>> -> memref<1x128xi32, #tpu.memory_space<vmem>>
      %dma_wait3A_69 = tpu.memref_squeeze %dma_wait3A_68 : memref<1x128xi32, #tpu.memory_space<vmem>> -> memref<128xi32, #tpu.memory_space<vmem>>
      %dma_wait3A_70 = arith.constant 0 : i32
      %dma_wait3A_71 = arith.constant 0 : i32
      %dma_wait3A_72 = tpu.memref_slice %arg2[%dma_wait3A_70, %dma_wait3A_71] : memref<10240x128xf32, #tpu.memory_space<hbm>> -> memref<10240x128xf32, #tpu.memory_space<hbm>>
      tpu.wait_indirect_dma semaphore(%arg12 : memref<!tpu.dma_semaphore, #tpu.memory_space<semaphore_mem>>) src(%dma_wait3A_72 : memref<10240x128xf32, #tpu.memory_space<hbm>>) dst(%arg9 : memref<128x128xf32, #tpu.memory_space<vmem>>)
      %gt3A = arith.constant 0 : i32
      %gt3A_73 = arith.cmpi sgt, %scan3A_63, %gt3A : i32
      %convert_element_type3A = arith.extui %gt3A_73 : i1 to i32
      %cond3A = arith.constant 0 : i32
      %cond3A_74 = arith.cmpi ne, %convert_element_type3A, %cond3A : i32
      scf.if %cond3A_74 {
        %sub3A = arith.constant 1 : i32
        %sub3A_110 = arith.subi %mul3A_66, %sub3A : i32
        %dma_wait3A_111 = arith.constant 0 : i32
        %dma_wait3A_112 = tpu.memref_slice %arg8[%sub3A_110, %dma_wait3A_111] : memref<40x128xi32, #tpu.memory_space<vmem>> -> memref<1x128xi32, #tpu.memory_space<vmem>>
        %dma_wait3A_113 = tpu.memref_squeeze %dma_wait3A_112 : memref<1x128xi32, #tpu.memory_space<vmem>> -> memref<128xi32, #tpu.memory_space<vmem>>
        %dma_wait3A_114 = arith.constant 0 : i32
        %dma_wait3A_115 = arith.constant 0 : i32
        %dma_wait3A_116 = tpu.memref_slice %arg11[%dma_wait3A_114, %dma_wait3A_115] : memref<10240x128xf32, #tpu.memory_space<vmem_shared>> -> memref<10240x128xf32, #tpu.memory_space<vmem_shared>>
        tpu.wait_indirect_dma semaphore(%arg15 : memref<!tpu.dma_semaphore, #tpu.memory_space<semaphore_mem>>) src(%arg10 : memref<128x128xf32, #tpu.memory_space<vmem>>) dst(%dma_wait3A_116 : memref<10240x128xf32, #tpu.memory_space<vmem_shared>>)
      } else {
      }
      %add3A_75 = arith.constant 1 : i32
      %add3A_76 = arith.addi %mul3A_66, %add3A_75 : i32
      %dma_start3A_77 = arith.constant 0 : i32
      %dma_start3A_78 = tpu.memref_slice %arg7[%add3A_76, %dma_start3A_77] : memref<40x128xi32, #tpu.memory_space<vmem>> -> memref<1x128xi32, #tpu.memory_space<vmem>>
      %dma_start3A_79 = tpu.memref_squeeze %dma_start3A_78 : memref<1x128xi32, #tpu.memory_space<vmem>> -> memref<128xi32, #tpu.memory_space<vmem>>
      %dma_start3A_80 = arith.constant 0 : i32
      %dma_start3A_81 = arith.constant 0 : i32
      %dma_start3A_82 = tpu.memref_slice %arg2[%dma_start3A_80, %dma_start3A_81] : memref<10240x128xf32, #tpu.memory_space<hbm>> -> memref<10240x128xf32, #tpu.memory_space<hbm>>
      tpu.enqueue_indirect_dma source(%dma_start3A_82 : memref<10240x128xf32, #tpu.memory_space<hbm>>) target(%arg10 : memref<128x128xf32, #tpu.memory_space<vmem>>) offsets(%dma_start3A_79 : memref<128xi32, #tpu.memory_space<vmem>>) semaphore(%arg13 : memref<!tpu.dma_semaphore, #tpu.memory_space<semaphore_mem>>)
      %dma_start3A_83 = arith.constant 0 : i32
      %dma_start3A_84 = tpu.memref_slice %arg8[%mul3A_66, %dma_start3A_83] : memref<40x128xi32, #tpu.memory_space<vmem>> -> memref<1x128xi32, #tpu.memory_space<vmem>>
      %dma_start3A_85 = tpu.memref_squeeze %dma_start3A_84 : memref<1x128xi32, #tpu.memory_space<vmem>> -> memref<128xi32, #tpu.memory_space<vmem>>
      %dma_start3A_86 = arith.constant 0 : i32
      %dma_start3A_87 = arith.constant 0 : i32
      %dma_start3A_88 = tpu.memref_slice %arg11[%dma_start3A_86, %dma_start3A_87] : memref<10240x128xf32, #tpu.memory_space<vmem_shared>> -> memref<10240x128xf32, #tpu.memory_space<vmem_shared>>
      tpu.enqueue_indirect_dma source(%arg9 : memref<128x128xf32, #tpu.memory_space<vmem>>) target(%dma_start3A_88 : memref<10240x128xf32, #tpu.memory_space<vmem_shared>>) offsets(%dma_start3A_85 : memref<128xi32, #tpu.memory_space<vmem>>) semaphore(%arg14 : memref<!tpu.dma_semaphore, #tpu.memory_space<semaphore_mem>>) {add = true}
      %add3A_89 = arith.constant 1 : i32
      %add3A_90 = arith.addi %mul3A_66, %add3A_89 : i32
      %dma_wait3A_91 = arith.constant 0 : i32
      %dma_wait3A_92 = tpu.memref_slice %arg7[%add3A_90, %dma_wait3A_91] : memref<40x128xi32, #tpu.memory_space<vmem>> -> memref<1x128xi32, #tpu.memory_space<vmem>>
      %dma_wait3A_93 = tpu.memref_squeeze %dma_wait3A_92 : memref<1x128xi32, #tpu.memory_space<vmem>> -> memref<128xi32, #tpu.memory_space<vmem>>
      %dma_wait3A_94 = arith.constant 0 : i32
      %dma_wait3A_95 = arith.constant 0 : i32
      %dma_wait3A_96 = tpu.memref_slice %arg2[%dma_wait3A_94, %dma_wait3A_95] : memref<10240x128xf32, #tpu.memory_space<hbm>> -> memref<10240x128xf32, #tpu.memory_space<hbm>>
      tpu.wait_indirect_dma semaphore(%arg13 : memref<!tpu.dma_semaphore, #tpu.memory_space<semaphore_mem>>) src(%dma_wait3A_96 : memref<10240x128xf32, #tpu.memory_space<hbm>>) dst(%arg10 : memref<128x128xf32, #tpu.memory_space<vmem>>)
      %lt3A = arith.constant 19 : i32
      %lt3A_97 = arith.cmpi slt, %scan3A_63, %lt3A : i32
      %convert_element_type3A_98 = arith.extui %lt3A_97 : i1 to i32
      %cond3A_99 = arith.constant 0 : i32
      %cond3A_100 = arith.cmpi ne, %convert_element_type3A_98, %cond3A_99 : i32
      scf.if %cond3A_100 {
        %dma_wait3A_110 = arith.constant 0 : i32
        %dma_wait3A_111 = tpu.memref_slice %arg8[%mul3A_66, %dma_wait3A_110] : memref<40x128xi32, #tpu.memory_space<vmem>> -> memref<1x128xi32, #tpu.memory_space<vmem>>
        %dma_wait3A_112 = tpu.memref_squeeze %dma_wait3A_111 : memref<1x128xi32, #tpu.memory_space<vmem>> -> memref<128xi32, #tpu.memory_space<vmem>>
        %dma_wait3A_113 = arith.constant 0 : i32
        %dma_wait3A_114 = arith.constant 0 : i32
        %dma_wait3A_115 = tpu.memref_slice %arg11[%dma_wait3A_113, %dma_wait3A_114] : memref<10240x128xf32, #tpu.memory_space<vmem_shared>> -> memref<10240x128xf32, #tpu.memory_space<vmem_shared>>
        tpu.wait_indirect_dma semaphore(%arg14 : memref<!tpu.dma_semaphore, #tpu.memory_space<semaphore_mem>>) src(%arg9 : memref<128x128xf32, #tpu.memory_space<vmem>>) dst(%dma_wait3A_115 : memref<10240x128xf32, #tpu.memory_space<vmem_shared>>)
        %add3A_116 = arith.constant 2 : i32
        %add3A_117 = arith.addi %mul3A_66, %add3A_116 : i32
        %dma_start3A_118 = arith.constant 0 : i32
        %dma_start3A_119 = tpu.memref_slice %arg7[%add3A_117, %dma_start3A_118] : memref<40x128xi32, #tpu.memory_space<vmem>> -> memref<1x128xi32, #tpu.memory_space<vmem>>
        %dma_start3A_120 = tpu.memref_squeeze %dma_start3A_119 : memref<1x128xi32, #tpu.memory_space<vmem>> -> memref<128xi32, #tpu.memory_space<vmem>>
        %dma_start3A_121 = arith.constant 0 : i32
        %dma_start3A_122 = arith.constant 0 : i32
        %dma_start3A_123 = tpu.memref_slice %arg2[%dma_start3A_121, %dma_start3A_122] : memref<10240x128xf32, #tpu.memory_space<hbm>> -> memref<10240x128xf32, #tpu.memory_space<hbm>>
        tpu.enqueue_indirect_dma source(%dma_start3A_123 : memref<10240x128xf32, #tpu.memory_space<hbm>>) target(%arg9 : memref<128x128xf32, #tpu.memory_space<vmem>>) offsets(%dma_start3A_120 : memref<128xi32, #tpu.memory_space<vmem>>) semaphore(%arg12 : memref<!tpu.dma_semaphore, #tpu.memory_space<semaphore_mem>>)
      } else {
      }
      %add3A_101 = arith.constant 1 : i32
      %add3A_102 = arith.addi %mul3A_66, %add3A_101 : i32
      %dma_start3A_103 = arith.constant 0 : i32
      %dma_start3A_104 = tpu.memref_slice %arg8[%add3A_102, %dma_start3A_103] : memref<40x128xi32, #tpu.memory_space<vmem>> -> memref<1x128xi32, #tpu.memory_space<vmem>>
      %dma_start3A_105 = tpu.memref_squeeze %dma_start3A_104 : memref<1x128xi32, #tpu.memory_space<vmem>> -> memref<128xi32, #tpu.memory_space<vmem>>
      %dma_start3A_106 = arith.constant 0 : i32
      %dma_start3A_107 = arith.constant 0 : i32
      %dma_start3A_108 = tpu.memref_slice %arg11[%dma_start3A_106, %dma_start3A_107] : memref<10240x128xf32, #tpu.memory_space<vmem_shared>> -> memref<10240x128xf32, #tpu.memory_space<vmem_shared>>
      tpu.enqueue_indirect_dma source(%arg10 : memref<128x128xf32, #tpu.memory_space<vmem>>) target(%dma_start3A_108 : memref<10240x128xf32, #tpu.memory_space<vmem_shared>>) offsets(%dma_start3A_105 : memref<128xi32, #tpu.memory_space<vmem>>) semaphore(%arg15 : memref<!tpu.dma_semaphore, #tpu.memory_space<semaphore_mem>>) {add = true}
      %scan3A_109 = arith.constant 0 : i32
      scf.yield %scan3A_109 : i32
    }
    %scan3A_16 = arith.constant 20 : i32
    %dma_wait3A = arith.constant 38 : i32
    %dma_wait3A_17 = arith.constant 0 : i32
    %dma_wait3A_18 = tpu.memref_slice %arg8[%dma_wait3A, %dma_wait3A_17] : memref<40x128xi32, #tpu.memory_space<vmem>> -> memref<1x128xi32, #tpu.memory_space<vmem>>
    %dma_wait3A_19 = tpu.memref_squeeze %dma_wait3A_18 : memref<1x128xi32, #tpu.memory_space<vmem>> -> memref<128xi32, #tpu.memory_space<vmem>>
    %dma_wait3A_20 = arith.constant 0 : i32
    %dma_wait3A_21 = arith.constant 0 : i32
    %dma_wait3A_22 = tpu.memref_slice %arg11[%dma_wait3A_20, %dma_wait3A_21] : memref<10240x128xf32, #tpu.memory_space<vmem_shared>> -> memref<10240x128xf32, #tpu.memory_space<vmem_shared>>
    tpu.wait_indirect_dma semaphore(%arg14 : memref<!tpu.dma_semaphore, #tpu.memory_space<semaphore_mem>>) src(%arg9 : memref<128x128xf32, #tpu.memory_space<vmem>>) dst(%dma_wait3A_22 : memref<10240x128xf32, #tpu.memory_space<vmem_shared>>)
    %dma_wait3A_23 = arith.constant 39 : i32
    %dma_wait3A_24 = arith.constant 0 : i32
    %dma_wait3A_25 = tpu.memref_slice %arg8[%dma_wait3A_23, %dma_wait3A_24] : memref<40x128xi32, #tpu.memory_space<vmem>> -> memref<1x128xi32, #tpu.memory_space<vmem>>
    %dma_wait3A_26 = tpu.memref_squeeze %dma_wait3A_25 : memref<1x128xi32, #tpu.memory_space<vmem>> -> memref<128xi32, #tpu.memory_space<vmem>>
    %dma_wait3A_27 = arith.constant 0 : i32
    %dma_wait3A_28 = arith.constant 0 : i32
    %dma_wait3A_29 = tpu.memref_slice %arg11[%dma_wait3A_27, %dma_wait3A_28] : memref<10240x128xf32, #tpu.memory_space<vmem_shared>> -> memref<10240x128xf32, #tpu.memory_space<vmem_shared>>
    tpu.wait_indirect_dma semaphore(%arg15 : memref<!tpu.dma_semaphore, #tpu.memory_space<semaphore_mem>>) src(%arg10 : memref<128x128xf32, #tpu.memory_space<vmem>>) dst(%dma_wait3A_29 : memref<10240x128xf32, #tpu.memory_space<vmem_shared>>)
    "tpu.region"() ({
      %run_scoped3A = tpu.sem_alloc : memref<!tpu.dma_semaphore, #tpu.memory_space<semaphore_mem>>
      %dma_start3A_63 = arith.constant 40 : i32
      %dma_start3A_64 = arith.constant 0 : i32
      %dma_start3A_65 = tpu.memref_slice %arg4[%add3A, %dma_start3A_63, %dma_start3A_64] : memref<32x80x128xi32, #tpu.memory_space<hbm>> -> memref<1x40x128xi32, #tpu.memory_space<hbm>>
      %dma_start3A_66 = tpu.memref_squeeze %dma_start3A_65 : memref<1x40x128xi32, #tpu.memory_space<hbm>> -> memref<40x128xi32, #tpu.memory_space<hbm>>
      %dma_start3A_67 = arith.constant 40 : i32
      %dma_start3A_68 = arith.constant 0 : i32
      %dma_start3A_69 = tpu.memref_slice %arg4[%add3A, %dma_start3A_67, %dma_start3A_68] : memref<32x80x128xi32, #tpu.memory_space<hbm>> -> memref<1x40x128xi32, #tpu.memory_space<hbm>>
      %dma_start3A_70 = tpu.memref_squeeze %dma_start3A_69 : memref<1x40x128xi32, #tpu.memory_space<hbm>> -> memref<40x128xi32, #tpu.memory_space<hbm>>
      tpu.enqueue_dma source(%dma_start3A_70 : memref<40x128xi32, #tpu.memory_space<hbm>>) target(%arg7 : memref<40x128xi32, #tpu.memory_space<vmem>>) target_semaphore(%run_scoped3A : memref<!tpu.dma_semaphore, #tpu.memory_space<semaphore_mem>>)
      %dma_wait3A_71 = arith.constant 40 : i32
      %dma_wait3A_72 = arith.constant 0 : i32
      %dma_wait3A_73 = tpu.memref_slice %arg4[%add3A, %dma_wait3A_71, %dma_wait3A_72] : memref<32x80x128xi32, #tpu.memory_space<hbm>> -> memref<1x40x128xi32, #tpu.memory_space<hbm>>
      %dma_wait3A_74 = tpu.memref_squeeze %dma_wait3A_73 : memref<1x40x128xi32, #tpu.memory_space<hbm>> -> memref<40x128xi32, #tpu.memory_space<hbm>>
      %dma_wait3A_75 = arith.constant 40 : i32
      %dma_wait3A_76 = arith.constant 0 : i32
      %dma_wait3A_77 = tpu.memref_slice %arg4[%add3A, %dma_wait3A_75, %dma_wait3A_76] : memref<32x80x128xi32, #tpu.memory_space<hbm>> -> memref<1x40x128xi32, #tpu.memory_space<hbm>>
      %dma_wait3A_78 = tpu.memref_squeeze %dma_wait3A_77 : memref<1x40x128xi32, #tpu.memory_space<hbm>> -> memref<40x128xi32, #tpu.memory_space<hbm>>
      tpu.wait_dma2 semaphore(%run_scoped3A : memref<!tpu.dma_semaphore, #tpu.memory_space<semaphore_mem>>) src(%dma_wait3A_78 : memref<40x128xi32, #tpu.memory_space<hbm>>) dst(%arg7 : memref<40x128xi32, #tpu.memory_space<vmem>>)
      tpu.yield
    }) : () -> ()
    "tpu.region"() ({
      %run_scoped3A = tpu.sem_alloc : memref<!tpu.dma_semaphore, #tpu.memory_space<semaphore_mem>>
      %dma_start3A_63 = arith.constant 40 : i32
      %dma_start3A_64 = arith.constant 0 : i32
      %dma_start3A_65 = tpu.memref_slice %arg5[%add3A, %dma_start3A_63, %dma_start3A_64] : memref<32x80x128xi32, #tpu.memory_space<hbm>> -> memref<1x40x128xi32, #tpu.memory_space<hbm>>
      %dma_start3A_66 = tpu.memref_squeeze %dma_start3A_65 : memref<1x40x128xi32, #tpu.memory_space<hbm>> -> memref<40x128xi32, #tpu.memory_space<hbm>>
      %dma_start3A_67 = arith.constant 40 : i32
      %dma_start3A_68 = arith.constant 0 : i32
      %dma_start3A_69 = tpu.memref_slice %arg5[%add3A, %dma_start3A_67, %dma_start3A_68] : memref<32x80x128xi32, #tpu.memory_space<hbm>> -> memref<1x40x128xi32, #tpu.memory_space<hbm>>
      %dma_start3A_70 = tpu.memref_squeeze %dma_start3A_69 : memref<1x40x128xi32, #tpu.memory_space<hbm>> -> memref<40x128xi32, #tpu.memory_space<hbm>>
      tpu.enqueue_dma source(%dma_start3A_70 : memref<40x128xi32, #tpu.memory_space<hbm>>) target(%arg8 : memref<40x128xi32, #tpu.memory_space<vmem>>) target_semaphore(%run_scoped3A : memref<!tpu.dma_semaphore, #tpu.memory_space<semaphore_mem>>)
      %dma_wait3A_71 = arith.constant 40 : i32
      %dma_wait3A_72 = arith.constant 0 : i32
      %dma_wait3A_73 = tpu.memref_slice %arg5[%add3A, %dma_wait3A_71, %dma_wait3A_72] : memref<32x80x128xi32, #tpu.memory_space<hbm>> -> memref<1x40x128xi32, #tpu.memory_space<hbm>>
      %dma_wait3A_74 = tpu.memref_squeeze %dma_wait3A_73 : memref<1x40x128xi32, #tpu.memory_space<hbm>> -> memref<40x128xi32, #tpu.memory_space<hbm>>
      %dma_wait3A_75 = arith.constant 40 : i32
      %dma_wait3A_76 = arith.constant 0 : i32
      %dma_wait3A_77 = tpu.memref_slice %arg5[%add3A, %dma_wait3A_75, %dma_wait3A_76] : memref<32x80x128xi32, #tpu.memory_space<hbm>> -> memref<1x40x128xi32, #tpu.memory_space<hbm>>
      %dma_wait3A_78 = tpu.memref_squeeze %dma_wait3A_77 : memref<1x40x128xi32, #tpu.memory_space<hbm>> -> memref<40x128xi32, #tpu.memory_space<hbm>>
      tpu.wait_dma2 semaphore(%run_scoped3A : memref<!tpu.dma_semaphore, #tpu.memory_space<semaphore_mem>>) src(%dma_wait3A_78 : memref<40x128xi32, #tpu.memory_space<hbm>>) dst(%arg8 : memref<40x128xi32, #tpu.memory_space<vmem>>)
      tpu.yield
    }) : () -> ()
    %dma_start3A_30 = arith.constant 0 : i32
    %dma_start3A_31 = arith.constant 0 : i32
    %dma_start3A_32 = tpu.memref_slice %arg7[%dma_start3A_30, %dma_start3A_31] : memref<40x128xi32, #tpu.memory_space<vmem>> -> memref<1x128xi32, #tpu.memory_space<vmem>>
    %dma_start3A_33 = tpu.memref_squeeze %dma_start3A_32 : memref<1x128xi32, #tpu.memory_space<vmem>> -> memref<128xi32, #tpu.memory_space<vmem>>
    %dma_start3A_34 = arith.constant 0 : i32
    %dma_start3A_35 = arith.constant 0 : i32
    %dma_start3A_36 = tpu.memref_slice %arg2[%dma_start3A_34, %dma_start3A_35] : memref<10240x128xf32, #tpu.memory_space<hbm>> -> memref<10240x128xf32, #tpu.memory_space<hbm>>
    tpu.enqueue_indirect_dma source(%dma_start3A_36 : memref<10240x128xf32, #tpu.memory_space<hbm>>) target(%arg9 : memref<128x128xf32, #tpu.memory_space<vmem>>) offsets(%dma_start3A_33 : memref<128xi32, #tpu.memory_space<vmem>>) semaphore(%arg12 : memref<!tpu.dma_semaphore, #tpu.memory_space<semaphore_mem>>)
    %scan3A_37 = arith.constant 0 : i32
    %scan3A_38 = arith.constant 0 : i32
    %scan3A_39 = arith.constant 20 : i32
    %scan3A_40 = arith.addi %scan3A_38, %scan3A_39 : i32
    %scan3A_41 = arith.constant 1 : i32
    %scan3A_42 = scf.for %scan3A_63 = %scan3A_38 to %scan3A_40 step %scan3A_41 iter_args(%scan3A_64 = %scan3A_37) -> (i32)  : i32 {
      %mul3A_65 = arith.constant 2 : i32
      %mul3A_66 = arith.muli %mul3A_65, %scan3A_63 : i32
      %dma_wait3A_67 = arith.constant 0 : i32
      %dma_wait3A_68 = tpu.memref_slice %arg7[%mul3A_66, %dma_wait3A_67] : memref<40x128xi32, #tpu.memory_space<vmem>> -> memref<1x128xi32, #tpu.memory_space<vmem>>
      %dma_wait3A_69 = tpu.memref_squeeze %dma_wait3A_68 : memref<1x128xi32, #tpu.memory_space<vmem>> -> memref<128xi32, #tpu.memory_space<vmem>>
      %dma_wait3A_70 = arith.constant 0 : i32
      %dma_wait3A_71 = arith.constant 0 : i32
      %dma_wait3A_72 = tpu.memref_slice %arg2[%dma_wait3A_70, %dma_wait3A_71] : memref<10240x128xf32, #tpu.memory_space<hbm>> -> memref<10240x128xf32, #tpu.memory_space<hbm>>
      tpu.wait_indirect_dma semaphore(%arg12 : memref<!tpu.dma_semaphore, #tpu.memory_space<semaphore_mem>>) src(%dma_wait3A_72 : memref<10240x128xf32, #tpu.memory_space<hbm>>) dst(%arg9 : memref<128x128xf32, #tpu.memory_space<vmem>>)
      %gt3A = arith.constant 0 : i32
      %gt3A_73 = arith.cmpi sgt, %scan3A_63, %gt3A : i32
      %convert_element_type3A = arith.extui %gt3A_73 : i1 to i32
      %cond3A = arith.constant 0 : i32
      %cond3A_74 = arith.cmpi ne, %convert_element_type3A, %cond3A : i32
      scf.if %cond3A_74 {
        %sub3A = arith.constant 1 : i32
        %sub3A_110 = arith.subi %mul3A_66, %sub3A : i32
        %dma_wait3A_111 = arith.constant 0 : i32
        %dma_wait3A_112 = tpu.memref_slice %arg8[%sub3A_110, %dma_wait3A_111] : memref<40x128xi32, #tpu.memory_space<vmem>> -> memref<1x128xi32, #tpu.memory_space<vmem>>
        %dma_wait3A_113 = tpu.memref_squeeze %dma_wait3A_112 : memref<1x128xi32, #tpu.memory_space<vmem>> -> memref<128xi32, #tpu.memory_space<vmem>>
        %dma_wait3A_114 = arith.constant 0 : i32
        %dma_wait3A_115 = arith.constant 0 : i32
        %dma_wait3A_116 = tpu.memref_slice %arg11[%dma_wait3A_114, %dma_wait3A_115] : memref<10240x128xf32, #tpu.memory_space<vmem_shared>> -> memref<10240x128xf32, #tpu.memory_space<vmem_shared>>
        tpu.wait_indirect_dma semaphore(%arg15 : memref<!tpu.dma_semaphore, #tpu.memory_space<semaphore_mem>>) src(%arg10 : memref<128x128xf32, #tpu.memory_space<vmem>>) dst(%dma_wait3A_116 : memref<10240x128xf32, #tpu.memory_space<vmem_shared>>)
      } else {
      }
      %add3A_75 = arith.constant 1 : i32
      %add3A_76 = arith.addi %mul3A_66, %add3A_75 : i32
      %dma_start3A_77 = arith.constant 0 : i32
      %dma_start3A_78 = tpu.memref_slice %arg7[%add3A_76, %dma_start3A_77] : memref<40x128xi32, #tpu.memory_space<vmem>> -> memref<1x128xi32, #tpu.memory_space<vmem>>
      %dma_start3A_79 = tpu.memref_squeeze %dma_start3A_78 : memref<1x128xi32, #tpu.memory_space<vmem>> -> memref<128xi32, #tpu.memory_space<vmem>>
      %dma_start3A_80 = arith.constant 0 : i32
      %dma_start3A_81 = arith.constant 0 : i32
      %dma_start3A_82 = tpu.memref_slice %arg2[%dma_start3A_80, %dma_start3A_81] : memref<10240x128xf32, #tpu.memory_space<hbm>> -> memref<10240x128xf32, #tpu.memory_space<hbm>>
      tpu.enqueue_indirect_dma source(%dma_start3A_82 : memref<10240x128xf32, #tpu.memory_space<hbm>>) target(%arg10 : memref<128x128xf32, #tpu.memory_space<vmem>>) offsets(%dma_start3A_79 : memref<128xi32, #tpu.memory_space<vmem>>) semaphore(%arg13 : memref<!tpu.dma_semaphore, #tpu.memory_space<semaphore_mem>>)
      %dma_start3A_83 = arith.constant 0 : i32
      %dma_start3A_84 = tpu.memref_slice %arg8[%mul3A_66, %dma_start3A_83] : memref<40x128xi32, #tpu.memory_space<vmem>> -> memref<1x128xi32, #tpu.memory_space<vmem>>
      %dma_start3A_85 = tpu.memref_squeeze %dma_start3A_84 : memref<1x128xi32, #tpu.memory_space<vmem>> -> memref<128xi32, #tpu.memory_space<vmem>>
      %dma_start3A_86 = arith.constant 0 : i32
      %dma_start3A_87 = arith.constant 0 : i32
      %dma_start3A_88 = tpu.memref_slice %arg11[%dma_start3A_86, %dma_start3A_87] : memref<10240x128xf32, #tpu.memory_space<vmem_shared>> -> memref<10240x128xf32, #tpu.memory_space<vmem_shared>>
      tpu.enqueue_indirect_dma source(%arg9 : memref<128x128xf32, #tpu.memory_space<vmem>>) target(%dma_start3A_88 : memref<10240x128xf32, #tpu.memory_space<vmem_shared>>) offsets(%dma_start3A_85 : memref<128xi32, #tpu.memory_space<vmem>>) semaphore(%arg14 : memref<!tpu.dma_semaphore, #tpu.memory_space<semaphore_mem>>) {add = true}
      %add3A_89 = arith.constant 1 : i32
      %add3A_90 = arith.addi %mul3A_66, %add3A_89 : i32
      %dma_wait3A_91 = arith.constant 0 : i32
      %dma_wait3A_92 = tpu.memref_slice %arg7[%add3A_90, %dma_wait3A_91] : memref<40x128xi32, #tpu.memory_space<vmem>> -> memref<1x128xi32, #tpu.memory_space<vmem>>
      %dma_wait3A_93 = tpu.memref_squeeze %dma_wait3A_92 : memref<1x128xi32, #tpu.memory_space<vmem>> -> memref<128xi32, #tpu.memory_space<vmem>>
      %dma_wait3A_94 = arith.constant 0 : i32
      %dma_wait3A_95 = arith.constant 0 : i32
      %dma_wait3A_96 = tpu.memref_slice %arg2[%dma_wait3A_94, %dma_wait3A_95] : memref<10240x128xf32, #tpu.memory_space<hbm>> -> memref<10240x128xf32, #tpu.memory_space<hbm>>
      tpu.wait_indirect_dma semaphore(%arg13 : memref<!tpu.dma_semaphore, #tpu.memory_space<semaphore_mem>>) src(%dma_wait3A_96 : memref<10240x128xf32, #tpu.memory_space<hbm>>) dst(%arg10 : memref<128x128xf32, #tpu.memory_space<vmem>>)
      %lt3A = arith.constant 19 : i32
      %lt3A_97 = arith.cmpi slt, %scan3A_63, %lt3A : i32
      %convert_element_type3A_98 = arith.extui %lt3A_97 : i1 to i32
      %cond3A_99 = arith.constant 0 : i32
      %cond3A_100 = arith.cmpi ne, %convert_element_type3A_98, %cond3A_99 : i32
      scf.if %cond3A_100 {
        %dma_wait3A_110 = arith.constant 0 : i32
        %dma_wait3A_111 = tpu.memref_slice %arg8[%mul3A_66, %dma_wait3A_110] : memref<40x128xi32, #tpu.memory_space<vmem>> -> memref<1x128xi32, #tpu.memory_space<vmem>>
        %dma_wait3A_112 = tpu.memref_squeeze %dma_wait3A_111 : memref<1x128xi32, #tpu.memory_space<vmem>> -> memref<128xi32, #tpu.memory_space<vmem>>
        %dma_wait3A_113 = arith.constant 0 : i32
        %dma_wait3A_114 = arith.constant 0 : i32
        %dma_wait3A_115 = tpu.memref_slice %arg11[%dma_wait3A_113, %dma_wait3A_114] : memref<10240x128xf32, #tpu.memory_space<vmem_shared>> -> memref<10240x128xf32, #tpu.memory_space<vmem_shared>>
        tpu.wait_indirect_dma semaphore(%arg14 : memref<!tpu.dma_semaphore, #tpu.memory_space<semaphore_mem>>) src(%arg9 : memref<128x128xf32, #tpu.memory_space<vmem>>) dst(%dma_wait3A_115 : memref<10240x128xf32, #tpu.memory_space<vmem_shared>>)
        %add3A_116 = arith.constant 2 : i32
        %add3A_117 = arith.addi %mul3A_66, %add3A_116 : i32
        %dma_start3A_118 = arith.constant 0 : i32
        %dma_start3A_119 = tpu.memref_slice %arg7[%add3A_117, %dma_start3A_118] : memref<40x128xi32, #tpu.memory_space<vmem>> -> memref<1x128xi32, #tpu.memory_space<vmem>>
        %dma_start3A_120 = tpu.memref_squeeze %dma_start3A_119 : memref<1x128xi32, #tpu.memory_space<vmem>> -> memref<128xi32, #tpu.memory_space<vmem>>
        %dma_start3A_121 = arith.constant 0 : i32
        %dma_start3A_122 = arith.constant 0 : i32
        %dma_start3A_123 = tpu.memref_slice %arg2[%dma_start3A_121, %dma_start3A_122] : memref<10240x128xf32, #tpu.memory_space<hbm>> -> memref<10240x128xf32, #tpu.memory_space<hbm>>
        tpu.enqueue_indirect_dma source(%dma_start3A_123 : memref<10240x128xf32, #tpu.memory_space<hbm>>) target(%arg9 : memref<128x128xf32, #tpu.memory_space<vmem>>) offsets(%dma_start3A_120 : memref<128xi32, #tpu.memory_space<vmem>>) semaphore(%arg12 : memref<!tpu.dma_semaphore, #tpu.memory_space<semaphore_mem>>)
      } else {
      }
      %add3A_101 = arith.constant 1 : i32
      %add3A_102 = arith.addi %mul3A_66, %add3A_101 : i32
      %dma_start3A_103 = arith.constant 0 : i32
      %dma_start3A_104 = tpu.memref_slice %arg8[%add3A_102, %dma_start3A_103] : memref<40x128xi32, #tpu.memory_space<vmem>> -> memref<1x128xi32, #tpu.memory_space<vmem>>
      %dma_start3A_105 = tpu.memref_squeeze %dma_start3A_104 : memref<1x128xi32, #tpu.memory_space<vmem>> -> memref<128xi32, #tpu.memory_space<vmem>>
      %dma_start3A_106 = arith.constant 0 : i32
      %dma_start3A_107 = arith.constant 0 : i32
      %dma_start3A_108 = tpu.memref_slice %arg11[%dma_start3A_106, %dma_start3A_107] : memref<10240x128xf32, #tpu.memory_space<vmem_shared>> -> memref<10240x128xf32, #tpu.memory_space<vmem_shared>>
      tpu.enqueue_indirect_dma source(%arg10 : memref<128x128xf32, #tpu.memory_space<vmem>>) target(%dma_start3A_108 : memref<10240x128xf32, #tpu.memory_space<vmem_shared>>) offsets(%dma_start3A_105 : memref<128xi32, #tpu.memory_space<vmem>>) semaphore(%arg15 : memref<!tpu.dma_semaphore, #tpu.memory_space<semaphore_mem>>) {add = true}
      %scan3A_109 = arith.constant 0 : i32
      scf.yield %scan3A_109 : i32
    }
    %scan3A_43 = arith.constant 20 : i32
    %dma_wait3A_44 = arith.constant 38 : i32
    %dma_wait3A_45 = arith.constant 0 : i32
    %dma_wait3A_46 = tpu.memref_slice %arg8[%dma_wait3A_44, %dma_wait3A_45] : memref<40x128xi32, #tpu.memory_space<vmem>> -> memref<1x128xi32, #tpu.memory_space<vmem>>
    %dma_wait3A_47 = tpu.memref_squeeze %dma_wait3A_46 : memref<1x128xi32, #tpu.memory_space<vmem>> -> memref<128xi32, #tpu.memory_space<vmem>>
    %dma_wait3A_48 = arith.constant 0 : i32
    %dma_wait3A_49 = arith.constant 0 : i32
    %dma_wait3A_50 = tpu.memref_slice %arg11[%dma_wait3A_48, %dma_wait3A_49] : memref<10240x128xf32, #tpu.memory_space<vmem_shared>> -> memref<10240x128xf32, #tpu.memory_space<vmem_shared>>
    tpu.wait_indirect_dma semaphore(%arg14 : memref<!tpu.dma_semaphore, #tpu.memory_space<semaphore_mem>>) src(%arg9 : memref<128x128xf32, #tpu.memory_space<vmem>>) dst(%dma_wait3A_50 : memref<10240x128xf32, #tpu.memory_space<vmem_shared>>)
    %dma_wait3A_51 = arith.constant 39 : i32
    %dma_wait3A_52 = arith.constant 0 : i32
    %dma_wait3A_53 = tpu.memref_slice %arg8[%dma_wait3A_51, %dma_wait3A_52] : memref<40x128xi32, #tpu.memory_space<vmem>> -> memref<1x128xi32, #tpu.memory_space<vmem>>
    %dma_wait3A_54 = tpu.memref_squeeze %dma_wait3A_53 : memref<1x128xi32, #tpu.memory_space<vmem>> -> memref<128xi32, #tpu.memory_space<vmem>>
    %dma_wait3A_55 = arith.constant 0 : i32
    %dma_wait3A_56 = arith.constant 0 : i32
    %dma_wait3A_57 = tpu.memref_slice %arg11[%dma_wait3A_55, %dma_wait3A_56] : memref<10240x128xf32, #tpu.memory_space<vmem_shared>> -> memref<10240x128xf32, #tpu.memory_space<vmem_shared>>
    tpu.wait_indirect_dma semaphore(%arg15 : memref<!tpu.dma_semaphore, #tpu.memory_space<semaphore_mem>>) src(%arg10 : memref<128x128xf32, #tpu.memory_space<vmem>>) dst(%dma_wait3A_57 : memref<10240x128xf32, #tpu.memory_space<vmem_shared>>)
    %barrier3A_58 = arith.constant 0 : index
    tpu.barrier barrier_id(%barrier3A_58)
    %mul3A_59 = arith.constant 640 : i32
    %mul3A_60 = arith.muli %arg1, %mul3A_59 : i32
    %mul3A_61 = arith.constant 640 : i32
    %mul3A_62 = arith.muli %arg1, %mul3A_61 : i32
    "tpu.region"() ({
      %run_scoped3A = tpu.sem_alloc : memref<!tpu.dma_semaphore, #tpu.memory_space<semaphore_mem>>
      %dma_start3A_63 = arith.constant 0 : i32
      %dma_start3A_64 = tpu.memref_slice %arg6[%arg0, %mul3A_62, %dma_start3A_63] : memref<2x10240x128xf32, #tpu.memory_space<hbm>> -> memref<1x640x128xf32, #tpu.memory_space<hbm>>
      %dma_start3A_65 = tpu.memref_squeeze %dma_start3A_64 : memref<1x640x128xf32, #tpu.memory_space<hbm>> -> memref<640x128xf32, #tpu.memory_space<hbm>>
      %dma_start3A_66 = arith.constant 0 : i32
      %dma_start3A_67 = tpu.memref_slice %arg11[%mul3A_60, %dma_start3A_66] : memref<10240x128xf32, #tpu.memory_space<vmem_shared>> -> memref<640x128xf32, #tpu.memory_space<vmem_shared>>
      tpu.enqueue_dma source(%dma_start3A_67 : memref<640x128xf32, #tpu.memory_space<vmem_shared>>) target(%dma_start3A_65 : memref<640x128xf32, #tpu.memory_space<hbm>>) target_semaphore(%run_scoped3A : memref<!tpu.dma_semaphore, #tpu.memory_space<semaphore_mem>>)
      %dma_wait3A_68 = arith.constant 0 : i32
      %dma_wait3A_69 = tpu.memref_slice %arg6[%arg0, %mul3A_62, %dma_wait3A_68] : memref<2x10240x128xf32, #tpu.memory_space<hbm>> -> memref<1x640x128xf32, #tpu.memory_space<hbm>>
      %dma_wait3A_70 = tpu.memref_squeeze %dma_wait3A_69 : memref<1x640x128xf32, #tpu.memory_space<hbm>> -> memref<640x128xf32, #tpu.memory_space<hbm>>
      %dma_wait3A_71 = arith.constant 0 : i32
      %dma_wait3A_72 = tpu.memref_slice %arg11[%mul3A_60, %dma_wait3A_71] : memref<10240x128xf32, #tpu.memory_space<vmem_shared>> -> memref<640x128xf32, #tpu.memory_space<vmem_shared>>
      tpu.wait_dma2 semaphore(%run_scoped3A : memref<!tpu.dma_semaphore, #tpu.memory_space<semaphore_mem>>) src(%dma_wait3A_72 : memref<640x128xf32, #tpu.memory_space<vmem_shared>>) dst(%dma_wait3A_70 : memref<640x128xf32, #tpu.memory_space<hbm>>)
      tpu.yield
    }) : () -> ()
    return
  }
}

#map = affine_map<(d0, d1) -> (0, 0)>
#map1 = affine_map<(d0, d1) -> (0)>
#map2 = affine_map<(d0, d1) -> (0, 0, 0)>
module attributes {stable_mosaic.version = 14 : i64} {
  func.func @_sc_embed_deg(%arg0: i32, %arg1: i32, %arg2: memref<100000x128xf32, #tpu.memory_space<hbm>>, %arg3: memref<10240xi32, #tpu.memory_space<hbm>>, %arg4: memref<10240x128xf32, #tpu.memory_space<hbm>>, %arg5: memref<128x128xf32, #tpu.memory_space<hbm>>, %arg6: memref<32x80x128xi32, #tpu.memory_space<hbm>>, %arg7: memref<10240x128xf32, #tpu.memory_space<hbm>>, %arg8: memref<2x10240x128xf32, #tpu.memory_space<hbm>>, %arg9: memref<80xi32, #tpu.memory_space<vmem>>, %arg10: memref<80x128xf32, #tpu.memory_space<vmem>>, %arg11: memref<80x128xi32, #tpu.memory_space<vmem>>, %arg12: memref<128x128xf32, #tpu.memory_space<vmem>>, %arg13: memref<10240x128xf32, #tpu.memory_space<vmem_shared>>, %arg14: memref<!tpu.dma_semaphore, #tpu.memory_space<semaphore_mem>>, %arg15: memref<!tpu.dma_semaphore, #tpu.memory_space<semaphore_mem>>, %arg16: memref<!tpu.dma_semaphore, #tpu.memory_space<semaphore_mem>>) attributes {dimension_semantics = [#tpu.dimension_semantics<core_parallel>, #tpu.dimension_semantics<subcore_parallel>], iteration_bounds = array<i64: 2, 16>, scalar_prefetch = 0 : i64, scratch_operands = 8 : i64, tpu.core_type = #tpu.core_type<sc_vector_subcore>, window_params = [{transform_indices = #map}, {transform_indices = #map1}, {transform_indices = #map}, {transform_indices = #map}, {transform_indices = #map2}, {transform_indices = #map}, {transform_indices = #map2}]} {
    %mul3A = arith.constant 2 : i32
    %mul3A_0 = arith.muli %arg1, %mul3A : i32
    %add3A = arith.addi %mul3A_0, %arg0 : i32
    "tpu.region"() ({
      %run_scoped3A = tpu.sem_alloc : memref<!tpu.dma_semaphore, #tpu.memory_space<semaphore_mem>>
      tpu.enqueue_dma source(%arg5 : memref<128x128xf32, #tpu.memory_space<hbm>>) target(%arg12 : memref<128x128xf32, #tpu.memory_space<vmem>>) target_semaphore(%run_scoped3A : memref<!tpu.dma_semaphore, #tpu.memory_space<semaphore_mem>>)
      tpu.wait_dma2 semaphore(%run_scoped3A : memref<!tpu.dma_semaphore, #tpu.memory_space<semaphore_mem>>) src(%arg5 : memref<128x128xf32, #tpu.memory_space<hbm>>) dst(%arg12 : memref<128x128xf32, #tpu.memory_space<vmem>>)
      tpu.yield
    }) : () -> ()
    %mul3A_1 = arith.constant 640 : i32
    %mul3A_2 = arith.muli %arg1, %mul3A_1 : i32
    %mul3A_3 = arith.constant 640 : i32
    %mul3A_4 = arith.muli %arg1, %mul3A_3 : i32
    "tpu.region"() ({
      %run_scoped3A = tpu.sem_alloc : memref<!tpu.dma_semaphore, #tpu.memory_space<semaphore_mem>>
      %dma_start3A = arith.constant 0 : i32
      %dma_start3A_23 = tpu.memref_slice %arg13[%mul3A_4, %dma_start3A] : memref<10240x128xf32, #tpu.memory_space<vmem_shared>> -> memref<640x128xf32, #tpu.memory_space<vmem_shared>>
      %dma_start3A_24 = arith.constant 0 : i32
      %dma_start3A_25 = tpu.memref_slice %arg4[%mul3A_2, %dma_start3A_24] : memref<10240x128xf32, #tpu.memory_space<hbm>> -> memref<640x128xf32, #tpu.memory_space<hbm>>
      tpu.enqueue_dma source(%dma_start3A_25 : memref<640x128xf32, #tpu.memory_space<hbm>>) target(%dma_start3A_23 : memref<640x128xf32, #tpu.memory_space<vmem_shared>>) target_semaphore(%run_scoped3A : memref<!tpu.dma_semaphore, #tpu.memory_space<semaphore_mem>>)
      %dma_wait3A = arith.constant 0 : i32
      %dma_wait3A_26 = tpu.memref_slice %arg13[%mul3A_4, %dma_wait3A] : memref<10240x128xf32, #tpu.memory_space<vmem_shared>> -> memref<640x128xf32, #tpu.memory_space<vmem_shared>>
      %dma_wait3A_27 = arith.constant 0 : i32
      %dma_wait3A_28 = tpu.memref_slice %arg4[%mul3A_2, %dma_wait3A_27] : memref<10240x128xf32, #tpu.memory_space<hbm>> -> memref<640x128xf32, #tpu.memory_space<hbm>>
      tpu.wait_dma2 semaphore(%run_scoped3A : memref<!tpu.dma_semaphore, #tpu.memory_space<semaphore_mem>>) src(%dma_wait3A_28 : memref<640x128xf32, #tpu.memory_space<hbm>>) dst(%dma_wait3A_26 : memref<640x128xf32, #tpu.memory_space<vmem_shared>>)
      tpu.yield
    }) : () -> ()
    %barrier3A = arith.constant 0 : index
    tpu.barrier barrier_id(%barrier3A)
    %scan3A = arith.constant 0 : i32
    %scan3A_5 = arith.constant 0 : i32
    %scan3A_6 = arith.constant 4 : i32
    %scan3A_7 = arith.addi %scan3A_5, %scan3A_6 : i32
    %scan3A_8 = arith.constant 1 : i32
    %scan3A_9 = scf.for %scan3A_23 = %scan3A_5 to %scan3A_7 step %scan3A_8 iter_args(%scan3A_24 = %scan3A) -> (i32)  : i32 {
      %mul3A_25 = arith.constant 320 : i32
      %mul3A_26 = arith.muli %add3A, %mul3A_25 : i32
      %mul3A_27 = arith.constant 80 : i32
      %mul3A_28 = arith.muli %scan3A_23, %mul3A_27 : i32
      %add3A_29 = arith.addi %mul3A_26, %mul3A_28 : i32
      "tpu.region"() ({
        %run_scoped3A = tpu.sem_alloc : memref<!tpu.dma_semaphore, #tpu.memory_space<semaphore_mem>>
        %dma_start3A_35 = tpu.memref_slice %arg3[%add3A_29] : memref<10240xi32, #tpu.memory_space<hbm>> -> memref<80xi32, #tpu.memory_space<hbm>>
        %dma_start3A_36 = tpu.memref_slice %arg3[%add3A_29] : memref<10240xi32, #tpu.memory_space<hbm>> -> memref<80xi32, #tpu.memory_space<hbm>>
        tpu.enqueue_dma source(%dma_start3A_36 : memref<80xi32, #tpu.memory_space<hbm>>) target(%arg9 : memref<80xi32, #tpu.memory_space<vmem>>) target_semaphore(%run_scoped3A : memref<!tpu.dma_semaphore, #tpu.memory_space<semaphore_mem>>)
        %dma_wait3A_37 = tpu.memref_slice %arg3[%add3A_29] : memref<10240xi32, #tpu.memory_space<hbm>> -> memref<80xi32, #tpu.memory_space<hbm>>
        %dma_wait3A_38 = tpu.memref_slice %arg3[%add3A_29] : memref<10240xi32, #tpu.memory_space<hbm>> -> memref<80xi32, #tpu.memory_space<hbm>>
        tpu.wait_dma2 semaphore(%run_scoped3A : memref<!tpu.dma_semaphore, #tpu.memory_space<semaphore_mem>>) src(%dma_wait3A_38 : memref<80xi32, #tpu.memory_space<hbm>>) dst(%arg9 : memref<80xi32, #tpu.memory_space<vmem>>)
        tpu.yield
      }) : () -> ()
      %dma_start3A = arith.constant 0 : i32
      %dma_start3A_30 = arith.constant 0 : i32
      %dma_start3A_31 = tpu.memref_slice %arg2[%dma_start3A, %dma_start3A_30] : memref<100000x128xf32, #tpu.memory_space<hbm>> -> memref<100000x128xf32, #tpu.memory_space<hbm>>
      tpu.enqueue_indirect_dma source(%dma_start3A_31 : memref<100000x128xf32, #tpu.memory_space<hbm>>) target(%arg10 : memref<80x128xf32, #tpu.memory_space<vmem>>) offsets(%arg9 : memref<80xi32, #tpu.memory_space<vmem>>) semaphore(%arg14 : memref<!tpu.dma_semaphore, #tpu.memory_space<semaphore_mem>>)
      %dma_wait3A = arith.constant 0 : i32
      %dma_wait3A_32 = arith.constant 0 : i32
      %dma_wait3A_33 = tpu.memref_slice %arg2[%dma_wait3A, %dma_wait3A_32] : memref<100000x128xf32, #tpu.memory_space<hbm>> -> memref<100000x128xf32, #tpu.memory_space<hbm>>
      tpu.wait_indirect_dma semaphore(%arg14 : memref<!tpu.dma_semaphore, #tpu.memory_space<semaphore_mem>>) src(%dma_wait3A_33 : memref<100000x128xf32, #tpu.memory_space<hbm>>) dst(%arg10 : memref<80x128xf32, #tpu.memory_space<vmem>>)
      "tpu.region"() ({
        %run_scoped3A = tpu.sem_alloc : memref<!tpu.dma_semaphore, #tpu.memory_space<semaphore_mem>>
        %dma_start3A_35 = arith.constant 0 : i32
        %dma_start3A_36 = tpu.memref_slice %arg7[%add3A_29, %dma_start3A_35] : memref<10240x128xf32, #tpu.memory_space<hbm>> -> memref<80x128xf32, #tpu.memory_space<hbm>>
        %dma_start3A_37 = arith.constant 0 : i32
        %dma_start3A_38 = tpu.memref_slice %arg7[%add3A_29, %dma_start3A_37] : memref<10240x128xf32, #tpu.memory_space<hbm>> -> memref<80x128xf32, #tpu.memory_space<hbm>>
        tpu.enqueue_dma source(%arg10 : memref<80x128xf32, #tpu.memory_space<vmem>>) target(%dma_start3A_38 : memref<80x128xf32, #tpu.memory_space<hbm>>) target_semaphore(%run_scoped3A : memref<!tpu.dma_semaphore, #tpu.memory_space<semaphore_mem>>)
        %dma_wait3A_39 = arith.constant 0 : i32
        %dma_wait3A_40 = tpu.memref_slice %arg7[%add3A_29, %dma_wait3A_39] : memref<10240x128xf32, #tpu.memory_space<hbm>> -> memref<80x128xf32, #tpu.memory_space<hbm>>
        %dma_wait3A_41 = arith.constant 0 : i32
        %dma_wait3A_42 = tpu.memref_slice %arg7[%add3A_29, %dma_wait3A_41] : memref<10240x128xf32, #tpu.memory_space<hbm>> -> memref<80x128xf32, #tpu.memory_space<hbm>>
        tpu.wait_dma2 semaphore(%run_scoped3A : memref<!tpu.dma_semaphore, #tpu.memory_space<semaphore_mem>>) src(%arg10 : memref<80x128xf32, #tpu.memory_space<vmem>>) dst(%dma_wait3A_42 : memref<80x128xf32, #tpu.memory_space<hbm>>)
        tpu.yield
      }) : () -> ()
      %scan3A_34 = arith.constant 0 : i32
      scf.yield %scan3A_34 : i32
    }
    %scan3A_10 = arith.constant 4 : i32
    "tpu.region"() ({
      %run_scoped3A = tpu.sem_alloc : memref<!tpu.dma_semaphore, #tpu.memory_space<semaphore_mem>>
      %dma_start3A = arith.constant 0 : i32
      %dma_start3A_23 = arith.constant 0 : i32
      %dma_start3A_24 = tpu.memref_slice %arg6[%add3A, %dma_start3A, %dma_start3A_23] : memref<32x80x128xi32, #tpu.memory_space<hbm>> -> memref<1x80x128xi32, #tpu.memory_space<hbm>>
      %dma_start3A_25 = tpu.memref_squeeze %dma_start3A_24 : memref<1x80x128xi32, #tpu.memory_space<hbm>> -> memref<80x128xi32, #tpu.memory_space<hbm>>
      %dma_start3A_26 = arith.constant 0 : i32
      %dma_start3A_27 = arith.constant 0 : i32
      %dma_start3A_28 = tpu.memref_slice %arg6[%add3A, %dma_start3A_26, %dma_start3A_27] : memref<32x80x128xi32, #tpu.memory_space<hbm>> -> memref<1x80x128xi32, #tpu.memory_space<hbm>>
      %dma_start3A_29 = tpu.memref_squeeze %dma_start3A_28 : memref<1x80x128xi32, #tpu.memory_space<hbm>> -> memref<80x128xi32, #tpu.memory_space<hbm>>
      tpu.enqueue_dma source(%dma_start3A_29 : memref<80x128xi32, #tpu.memory_space<hbm>>) target(%arg11 : memref<80x128xi32, #tpu.memory_space<vmem>>) target_semaphore(%run_scoped3A : memref<!tpu.dma_semaphore, #tpu.memory_space<semaphore_mem>>)
      %dma_wait3A = arith.constant 0 : i32
      %dma_wait3A_30 = arith.constant 0 : i32
      %dma_wait3A_31 = tpu.memref_slice %arg6[%add3A, %dma_wait3A, %dma_wait3A_30] : memref<32x80x128xi32, #tpu.memory_space<hbm>> -> memref<1x80x128xi32, #tpu.memory_space<hbm>>
      %dma_wait3A_32 = tpu.memref_squeeze %dma_wait3A_31 : memref<1x80x128xi32, #tpu.memory_space<hbm>> -> memref<80x128xi32, #tpu.memory_space<hbm>>
      %dma_wait3A_33 = arith.constant 0 : i32
      %dma_wait3A_34 = arith.constant 0 : i32
      %dma_wait3A_35 = tpu.memref_slice %arg6[%add3A, %dma_wait3A_33, %dma_wait3A_34] : memref<32x80x128xi32, #tpu.memory_space<hbm>> -> memref<1x80x128xi32, #tpu.memory_space<hbm>>
      %dma_wait3A_36 = tpu.memref_squeeze %dma_wait3A_35 : memref<1x80x128xi32, #tpu.memory_space<hbm>> -> memref<80x128xi32, #tpu.memory_space<hbm>>
      tpu.wait_dma2 semaphore(%run_scoped3A : memref<!tpu.dma_semaphore, #tpu.memory_space<semaphore_mem>>) src(%dma_wait3A_36 : memref<80x128xi32, #tpu.memory_space<hbm>>) dst(%arg11 : memref<80x128xi32, #tpu.memory_space<vmem>>)
      tpu.yield
    }) : () -> ()
    %scan3A_11 = arith.constant 0 : i32
    %scan3A_12 = arith.constant 0 : i32
    %scan3A_13 = arith.constant 40 : i32
    %scan3A_14 = arith.addi %scan3A_12, %scan3A_13 : i32
    %scan3A_15 = arith.constant 1 : i32
    %scan3A_16 = scf.for %scan3A_23 = %scan3A_12 to %scan3A_14 step %scan3A_15 iter_args(%scan3A_24 = %scan3A_11) -> (i32)  : i32 {
      %mul3A_25 = arith.constant 2 : i32
      %mul3A_26 = arith.muli %mul3A_25, %scan3A_23 : i32
      %dma_start3A = arith.constant 0 : i32
      %dma_start3A_27 = tpu.memref_slice %arg11[%mul3A_26, %dma_start3A] : memref<80x128xi32, #tpu.memory_space<vmem>> -> memref<1x128xi32, #tpu.memory_space<vmem>>
      %dma_start3A_28 = tpu.memref_squeeze %dma_start3A_27 : memref<1x128xi32, #tpu.memory_space<vmem>> -> memref<128xi32, #tpu.memory_space<vmem>>
      %dma_start3A_29 = arith.constant 0 : i32
      %dma_start3A_30 = arith.constant 0 : i32
      %dma_start3A_31 = tpu.memref_slice %arg13[%dma_start3A_29, %dma_start3A_30] : memref<10240x128xf32, #tpu.memory_space<vmem_shared>> -> memref<10240x128xf32, #tpu.memory_space<vmem_shared>>
      tpu.enqueue_indirect_dma source(%arg12 : memref<128x128xf32, #tpu.memory_space<vmem>>) target(%dma_start3A_31 : memref<10240x128xf32, #tpu.memory_space<vmem_shared>>) offsets(%dma_start3A_28 : memref<128xi32, #tpu.memory_space<vmem>>) semaphore(%arg15 : memref<!tpu.dma_semaphore, #tpu.memory_space<semaphore_mem>>) {add = true}
      %mul3A_32 = arith.constant 2 : i32
      %mul3A_33 = arith.muli %mul3A_32, %scan3A_23 : i32
      %add3A_34 = arith.constant 1 : i32
      %add3A_35 = arith.addi %mul3A_33, %add3A_34 : i32
      %dma_start3A_36 = arith.constant 0 : i32
      %dma_start3A_37 = tpu.memref_slice %arg11[%add3A_35, %dma_start3A_36] : memref<80x128xi32, #tpu.memory_space<vmem>> -> memref<1x128xi32, #tpu.memory_space<vmem>>
      %dma_start3A_38 = tpu.memref_squeeze %dma_start3A_37 : memref<1x128xi32, #tpu.memory_space<vmem>> -> memref<128xi32, #tpu.memory_space<vmem>>
      %dma_start3A_39 = arith.constant 0 : i32
      %dma_start3A_40 = arith.constant 0 : i32
      %dma_start3A_41 = tpu.memref_slice %arg13[%dma_start3A_39, %dma_start3A_40] : memref<10240x128xf32, #tpu.memory_space<vmem_shared>> -> memref<10240x128xf32, #tpu.memory_space<vmem_shared>>
      tpu.enqueue_indirect_dma source(%arg12 : memref<128x128xf32, #tpu.memory_space<vmem>>) target(%dma_start3A_41 : memref<10240x128xf32, #tpu.memory_space<vmem_shared>>) offsets(%dma_start3A_38 : memref<128xi32, #tpu.memory_space<vmem>>) semaphore(%arg16 : memref<!tpu.dma_semaphore, #tpu.memory_space<semaphore_mem>>) {add = true}
      %mul3A_42 = arith.constant 2 : i32
      %mul3A_43 = arith.muli %mul3A_42, %scan3A_23 : i32
      %dma_wait3A = arith.constant 0 : i32
      %dma_wait3A_44 = tpu.memref_slice %arg11[%mul3A_43, %dma_wait3A] : memref<80x128xi32, #tpu.memory_space<vmem>> -> memref<1x128xi32, #tpu.memory_space<vmem>>
      %dma_wait3A_45 = tpu.memref_squeeze %dma_wait3A_44 : memref<1x128xi32, #tpu.memory_space<vmem>> -> memref<128xi32, #tpu.memory_space<vmem>>
      %dma_wait3A_46 = arith.constant 0 : i32
      %dma_wait3A_47 = arith.constant 0 : i32
      %dma_wait3A_48 = tpu.memref_slice %arg13[%dma_wait3A_46, %dma_wait3A_47] : memref<10240x128xf32, #tpu.memory_space<vmem_shared>> -> memref<10240x128xf32, #tpu.memory_space<vmem_shared>>
      tpu.wait_indirect_dma semaphore(%arg15 : memref<!tpu.dma_semaphore, #tpu.memory_space<semaphore_mem>>) src(%arg12 : memref<128x128xf32, #tpu.memory_space<vmem>>) dst(%dma_wait3A_48 : memref<10240x128xf32, #tpu.memory_space<vmem_shared>>)
      %mul3A_49 = arith.constant 2 : i32
      %mul3A_50 = arith.muli %mul3A_49, %scan3A_23 : i32
      %add3A_51 = arith.constant 1 : i32
      %add3A_52 = arith.addi %mul3A_50, %add3A_51 : i32
      %dma_wait3A_53 = arith.constant 0 : i32
      %dma_wait3A_54 = tpu.memref_slice %arg11[%add3A_52, %dma_wait3A_53] : memref<80x128xi32, #tpu.memory_space<vmem>> -> memref<1x128xi32, #tpu.memory_space<vmem>>
      %dma_wait3A_55 = tpu.memref_squeeze %dma_wait3A_54 : memref<1x128xi32, #tpu.memory_space<vmem>> -> memref<128xi32, #tpu.memory_space<vmem>>
      %dma_wait3A_56 = arith.constant 0 : i32
      %dma_wait3A_57 = arith.constant 0 : i32
      %dma_wait3A_58 = tpu.memref_slice %arg13[%dma_wait3A_56, %dma_wait3A_57] : memref<10240x128xf32, #tpu.memory_space<vmem_shared>> -> memref<10240x128xf32, #tpu.memory_space<vmem_shared>>
      tpu.wait_indirect_dma semaphore(%arg16 : memref<!tpu.dma_semaphore, #tpu.memory_space<semaphore_mem>>) src(%arg12 : memref<128x128xf32, #tpu.memory_space<vmem>>) dst(%dma_wait3A_58 : memref<10240x128xf32, #tpu.memory_space<vmem_shared>>)
      %scan3A_59 = arith.constant 0 : i32
      scf.yield %scan3A_59 : i32
    }
    %scan3A_17 = arith.constant 40 : i32
    %barrier3A_18 = arith.constant 0 : index
    tpu.barrier barrier_id(%barrier3A_18)
    %mul3A_19 = arith.constant 640 : i32
    %mul3A_20 = arith.muli %arg1, %mul3A_19 : i32
    %mul3A_21 = arith.constant 640 : i32
    %mul3A_22 = arith.muli %arg1, %mul3A_21 : i32
    "tpu.region"() ({
      %run_scoped3A = tpu.sem_alloc : memref<!tpu.dma_semaphore, #tpu.memory_space<semaphore_mem>>
      %dma_start3A = arith.constant 0 : i32
      %dma_start3A_23 = tpu.memref_slice %arg8[%arg0, %mul3A_22, %dma_start3A] : memref<2x10240x128xf32, #tpu.memory_space<hbm>> -> memref<1x640x128xf32, #tpu.memory_space<hbm>>
      %dma_start3A_24 = tpu.memref_squeeze %dma_start3A_23 : memref<1x640x128xf32, #tpu.memory_space<hbm>> -> memref<640x128xf32, #tpu.memory_space<hbm>>
      %dma_start3A_25 = arith.constant 0 : i32
      %dma_start3A_26 = tpu.memref_slice %arg13[%mul3A_20, %dma_start3A_25] : memref<10240x128xf32, #tpu.memory_space<vmem_shared>> -> memref<640x128xf32, #tpu.memory_space<vmem_shared>>
      tpu.enqueue_dma source(%dma_start3A_26 : memref<640x128xf32, #tpu.memory_space<vmem_shared>>) target(%dma_start3A_24 : memref<640x128xf32, #tpu.memory_space<hbm>>) target_semaphore(%run_scoped3A : memref<!tpu.dma_semaphore, #tpu.memory_space<semaphore_mem>>)
      %dma_wait3A = arith.constant 0 : i32
      %dma_wait3A_27 = tpu.memref_slice %arg8[%arg0, %mul3A_22, %dma_wait3A] : memref<2x10240x128xf32, #tpu.memory_space<hbm>> -> memref<1x640x128xf32, #tpu.memory_space<hbm>>
      %dma_wait3A_28 = tpu.memref_squeeze %dma_wait3A_27 : memref<1x640x128xf32, #tpu.memory_space<hbm>> -> memref<640x128xf32, #tpu.memory_space<hbm>>
      %dma_wait3A_29 = arith.constant 0 : i32
      %dma_wait3A_30 = tpu.memref_slice %arg13[%mul3A_20, %dma_wait3A_29] : memref<10240x128xf32, #tpu.memory_space<vmem_shared>> -> memref<640x128xf32, #tpu.memory_space<vmem_shared>>
      tpu.wait_dma2 semaphore(%run_scoped3A : memref<!tpu.dma_semaphore, #tpu.memory_space<semaphore_mem>>) src(%dma_wait3A_30 : memref<640x128xf32, #tpu.memory_space<vmem_shared>>) dst(%dma_wait3A_28 : memref<640x128xf32, #tpu.memory_space<hbm>>)
      tpu.yield
    }) : () -> ()
    return
  }
}

module attributes {stable_mosaic.version = 14 : i64} {
  func.func @_tc_layer1_body(%arg0: i32, %arg1: memref<256x128xf32, #tpu.memory_space<vmem>>, %arg2: memref<256x1xf32, #tpu.memory_space<vmem>>, %arg3: memref<128x128xf32, #tpu.memory_space<vmem>>, %arg4: memref<256x128xf32, #tpu.memory_space<vmem>>, %arg5: memref<256x1xf32, #tpu.memory_space<vmem>>) attributes {dimension_semantics = [#tpu.dimension_semantics<arbitrary>], iteration_bounds = array<i64: 40>, scalar_prefetch = 0 : i64, scratch_operands = 0 : i64, tpu.core_type = #tpu.core_type<tc>, window_params = [{transform_indices = @transform_0, window_bounds = array<i64: 256, 128>}, {transform_indices = @transform_1, window_bounds = array<i64: 256, 1>}, {pipeline_mode = #tpu.pipeline_mode<synchronous>, transform_indices = @transform_2, window_bounds = array<i64: 128, 128>}, {transform_indices = @transform_3, window_bounds = array<i64: 256, 128>}, {transform_indices = @transform_4, window_bounds = array<i64: 256, 1>}]} {
    %get3A = arith.constant 0 : index
    %get3A_0 = arith.constant 0 : index
    %get3A_1 = vector.load %arg2[%get3A, %get3A_0] : memref<256x1xf32, #tpu.memory_space<vmem>>, vector<256x1xf32>
    %add3A = arith.constant 1.000000e+00 : f32
    %add3A_2 = vector.broadcast %add3A : f32 to vector<256x1xf32>
    %add3A_3 = arith.addf %add3A_2, %get3A_1 : vector<256x1xf32>
    %rsqrt3A = math.rsqrt %add3A_3 : vector<256x1xf32>
    %get3A_4 = arith.constant 0 : index
    %get3A_5 = arith.constant 0 : index
    %get3A_6 = vector.load %arg1[%get3A_4, %get3A_5] : memref<256x128xf32, #tpu.memory_space<vmem>>, vector<256x128xf32>
    %get3A_7 = arith.constant 0 : index
    %get3A_8 = arith.constant 0 : index
    %get3A_9 = vector.load %arg3[%get3A_7, %get3A_8] : memref<128x128xf32, #tpu.memory_space<vmem>>, vector<128x128xf32>
    %dot_general3A = arith.constant dense<0.000000e+00> : vector<256x128xf32>
    %dot_general3A_10 = tpu.matmul %get3A_6, %get3A_9, %dot_general3A {dimension_numbers = #tpu.dot_dimension_numbers<[1], [0], [0], [1], [0, 0, 1, 1], [], []>, transpose_lhs_hint = false} : vector<256x128xf32>, vector<128x128xf32>, vector<256x128xf32> -> vector<256x128xf32>
    %mul3A = vector.broadcast %rsqrt3A : vector<256x1xf32> to vector<256x128xf32>
    %mul3A_11 = arith.mulf %mul3A, %dot_general3A_10 : vector<256x128xf32>
    %swap3A = arith.constant 0 : index
    %swap3A_12 = arith.constant 0 : index
    %swap3A_13 = vector.load %arg4[%swap3A, %swap3A_12] : memref<256x128xf32, #tpu.memory_space<vmem>>, vector<256x128xf32>
    tpu.vector_store %arg4[%swap3A, %swap3A_12], %mul3A_11 {strides = array<i32>} : memref<256x128xf32, #tpu.memory_space<vmem>>, vector<256x128xf32>,
    %swap3A_14 = arith.constant 0 : index
    %swap3A_15 = arith.constant 0 : index
    %swap3A_16 = vector.load %arg5[%swap3A_14, %swap3A_15] : memref<256x1xf32, #tpu.memory_space<vmem>>, vector<256x1xf32>
    tpu.vector_store %arg5[%swap3A_14, %swap3A_15], %rsqrt3A {strides = array<i32>} : memref<256x1xf32, #tpu.memory_space<vmem>>, vector<256x1xf32>,
    return
  }
  func.func @transform_0(%arg0: i32) -> (i32, i32) {
    %c0_i32 = arith.constant 0 : i32
    %c0_i32_0 = arith.constant 0 : i32
    return %arg0, %c0_i32 : i32, i32
  }
  func.func @transform_1(%arg0: i32) -> (i32, i32) {
    %c0_i32 = arith.constant 0 : i32
    %c0_i32_0 = arith.constant 0 : i32
    return %arg0, %c0_i32 : i32, i32
  }
  func.func @transform_2(%arg0: i32) -> (i32, i32) {
    %c0_i32 = arith.constant 0 : i32
    %c0_i32_0 = arith.constant 0 : i32
    %c0_i32_1 = arith.constant 0 : i32
    return %c0_i32, %c0_i32_0 : i32, i32
  }
  func.func @transform_3(%arg0: i32) -> (i32, i32) {
    %c0_i32 = arith.constant 0 : i32
    %c0_i32_0 = arith.constant 0 : i32
    return %arg0, %c0_i32 : i32, i32
  }
  func.func @transform_4(%arg0: i32) -> (i32, i32) {
    %c0_i32 = arith.constant 0 : i32
    %c0_i32_0 = arith.constant 0 : i32
    return %arg0, %c0_i32 : i32, i32
  }
}

module attributes {stable_mosaic.version = 14 : i64} {
  func.func @_tc_layer2_body(%arg0: i32, %arg1: memref<2x256x128xf32, #tpu.memory_space<vmem>>, %arg2: memref<256x128xf32, #tpu.memory_space<vmem>>, %arg3: memref<256x1xf32, #tpu.memory_space<vmem>>, %arg4: memref<1x128xf32, #tpu.memory_space<vmem>>, %arg5: memref<128x128xf32, #tpu.memory_space<vmem>>, %arg6: memref<256x128xf32, #tpu.memory_space<vmem>>) attributes {dimension_semantics = [#tpu.dimension_semantics<arbitrary>], iteration_bounds = array<i64: 40>, scalar_prefetch = 0 : i64, scratch_operands = 0 : i64, tpu.core_type = #tpu.core_type<tc>, window_params = [{transform_indices = @transform_0, window_bounds = array<i64: 2, 256, 128>}, {transform_indices = @transform_1, window_bounds = array<i64: 256, 128>}, {transform_indices = @transform_2, window_bounds = array<i64: 256, 1>}, {pipeline_mode = #tpu.pipeline_mode<synchronous>, transform_indices = @transform_3, window_bounds = array<i64: 1, 128>}, {pipeline_mode = #tpu.pipeline_mode<synchronous>, transform_indices = @transform_4, window_bounds = array<i64: 128, 128>}, {transform_indices = @transform_5, window_bounds = array<i64: 256, 128>}]} {
    %get3A = arith.constant 0 : index
    %get3A_0 = arith.constant 0 : index
    %get3A_1 = vector.load %arg3[%get3A, %get3A_0] : memref<256x1xf32, #tpu.memory_space<vmem>>, vector<256x1xf32>
    %get3A_2 = arith.constant 0 : index
    %get3A_3 = arith.constant 0 : index
    %get3A_4 = arith.constant 0 : index
    %get3A_5 = vector.load %arg1[%get3A_2, %get3A_3, %get3A_4] : memref<2x256x128xf32, #tpu.memory_space<vmem>>, vector<1x256x128xf32>
    %get3A_6 = vector.shape_cast %get3A_5 : vector<1x256x128xf32> to vector<256x128xf32>
    %get3A_7 = arith.constant 1 : index
    %get3A_8 = arith.constant 0 : index
    %get3A_9 = arith.constant 0 : index
    %get3A_10 = vector.load %arg1[%get3A_7, %get3A_8, %get3A_9] : memref<2x256x128xf32, #tpu.memory_space<vmem>>, vector<1x256x128xf32>
    %get3A_11 = vector.shape_cast %get3A_10 : vector<1x256x128xf32> to vector<256x128xf32>
    %add3A = arith.addf %get3A_6, %get3A_11 : vector<256x128xf32>
    %get3A_12 = arith.constant 0 : index
    %get3A_13 = arith.constant 0 : index
    %get3A_14 = vector.load %arg2[%get3A_12, %get3A_13] : memref<256x128xf32, #tpu.memory_space<vmem>>, vector<256x128xf32>
    %add3A_15 = arith.addf %add3A, %get3A_14 : vector<256x128xf32>
    %mul3A = vector.broadcast %get3A_1 : vector<256x1xf32> to vector<256x128xf32>
    %mul3A_16 = arith.mulf %mul3A, %add3A_15 : vector<256x128xf32>
    %get3A_17 = arith.constant 0 : index
    %get3A_18 = arith.constant 0 : index
    %get3A_19 = vector.load %arg4[%get3A_17, %get3A_18] : memref<1x128xf32, #tpu.memory_space<vmem>>, vector<1x128xf32>
    %add3A_20 = vector.broadcast %get3A_19 : vector<1x128xf32> to vector<256x128xf32>
    %add3A_21 = arith.addf %mul3A_16, %add3A_20 : vector<256x128xf32>
    %max3A = arith.constant 0.000000e+00 : f32
    %max3A_22 = vector.broadcast %max3A : f32 to vector<256x128xf32>
    %max3A_23 = arith.maximumf %add3A_21, %max3A_22 : vector<256x128xf32>
    %get3A_24 = arith.constant 0 : index
    %get3A_25 = arith.constant 0 : index
    %get3A_26 = vector.load %arg3[%get3A_24, %get3A_25] : memref<256x1xf32, #tpu.memory_space<vmem>>, vector<256x1xf32>
    %get3A_27 = arith.constant 0 : index
    %get3A_28 = arith.constant 0 : index
    %get3A_29 = vector.load %arg5[%get3A_27, %get3A_28] : memref<128x128xf32, #tpu.memory_space<vmem>>, vector<128x128xf32>
    %dot_general3A = arith.constant dense<0.000000e+00> : vector<256x128xf32>
    %dot_general3A_30 = tpu.matmul %max3A_23, %get3A_29, %dot_general3A {dimension_numbers = #tpu.dot_dimension_numbers<[1], [0], [0], [1], [0, 0, 1, 1], [], []>, transpose_lhs_hint = false} : vector<256x128xf32>, vector<128x128xf32>, vector<256x128xf32> -> vector<256x128xf32>
    %mul3A_31 = vector.broadcast %get3A_26 : vector<256x1xf32> to vector<256x128xf32>
    %mul3A_32 = arith.mulf %mul3A_31, %dot_general3A_30 : vector<256x128xf32>
    %swap3A = arith.constant 0 : index
    %swap3A_33 = arith.constant 0 : index
    %swap3A_34 = vector.load %arg6[%swap3A, %swap3A_33] : memref<256x128xf32, #tpu.memory_space<vmem>>, vector<256x128xf32>
    tpu.vector_store %arg6[%swap3A, %swap3A_33], %mul3A_32 {strides = array<i32>} : memref<256x128xf32, #tpu.memory_space<vmem>>, vector<256x128xf32>,
    return
  }
  func.func @transform_0(%arg0: i32) -> (i32, i32, i32) {
    %c0_i32 = arith.constant 0 : i32
    %c0_i32_0 = arith.constant 0 : i32
    %c0_i32_1 = arith.constant 0 : i32
    return %c0_i32, %arg0, %c0_i32_0 : i32, i32, i32
  }
  func.func @transform_1(%arg0: i32) -> (i32, i32) {
    %c0_i32 = arith.constant 0 : i32
    %c0_i32_0 = arith.constant 0 : i32
    return %arg0, %c0_i32 : i32, i32
  }
  func.func @transform_2(%arg0: i32) -> (i32, i32) {
    %c0_i32 = arith.constant 0 : i32
    %c0_i32_0 = arith.constant 0 : i32
    return %arg0, %c0_i32 : i32, i32
  }
  func.func @transform_3(%arg0: i32) -> (i32, i32) {
    %c0_i32 = arith.constant 0 : i32
    %c0_i32_0 = arith.constant 0 : i32
    %c0_i32_1 = arith.constant 0 : i32
    return %c0_i32, %c0_i32_0 : i32, i32
  }
  func.func @transform_4(%arg0: i32) -> (i32, i32) {
    %c0_i32 = arith.constant 0 : i32
    %c0_i32_0 = arith.constant 0 : i32
    %c0_i32_1 = arith.constant 0 : i32
    return %c0_i32, %c0_i32_0 : i32, i32
  }
  func.func @transform_5(%arg0: i32) -> (i32, i32) {
    %c0_i32 = arith.constant 0 : i32
    %c0_i32_0 = arith.constant 0 : i32
    return %arg0, %c0_i32 : i32, i32
  }
}

module attributes {stable_mosaic.version = 14 : i64} {
  func.func @_tc_final_body(%arg0: i32, %arg1: memref<2x256x128xf32, #tpu.memory_space<vmem>>, %arg2: memref<256x128xf32, #tpu.memory_space<vmem>>, %arg3: memref<256x1xf32, #tpu.memory_space<vmem>>, %arg4: memref<1x128xf32, #tpu.memory_space<vmem>>, %arg5: memref<256x1xi32, #tpu.memory_space<vmem>>, %arg6: memref<128x128xf32, #tpu.memory_space<vmem>>, %arg7: memref<1x128xf32, #tpu.memory_space<vmem>>, %arg8: memref<128x128xf32, #tpu.memory_space<vmem>>, %arg9: memref<128x128xf32, #tpu.memory_space<vmem>>, %arg10: memref<128x128xf32, #tpu.memory_space<vmem>>) attributes {dimension_semantics = [#tpu.dimension_semantics<arbitrary>], iteration_bounds = array<i64: 40>, scalar_prefetch = 0 : i64, scratch_operands = 2 : i64, tpu.core_type = #tpu.core_type<tc>, window_params = [{transform_indices = @transform_0, window_bounds = array<i64: 2, 256, 128>}, {transform_indices = @transform_1, window_bounds = array<i64: 256, 128>}, {transform_indices = @transform_2, window_bounds = array<i64: 256, 1>}, {pipeline_mode = #tpu.pipeline_mode<synchronous>, transform_indices = @transform_3, window_bounds = array<i64: 1, 128>}, {transform_indices = @transform_4, window_bounds = array<i64: 256, 1>}, {pipeline_mode = #tpu.pipeline_mode<synchronous>, transform_indices = @transform_5, window_bounds = array<i64: 128, 128>}, {pipeline_mode = #tpu.pipeline_mode<synchronous>, transform_indices = @transform_6, window_bounds = array<i64: 1, 128>}, {pipeline_mode = #tpu.pipeline_mode<synchronous>, transform_indices = @transform_7, window_bounds = array<i64: 128, 128>}]} {
    %eq3A = arith.constant 0 : i32
    %eq3A_0 = arith.cmpi eq, %arg0, %eq3A : i32
    %convert_element_type3A = arith.extui %eq3A_0 : i1 to i32
    %cond3A = arith.constant 0 : i32
    %cond3A_1 = arith.cmpi ne, %convert_element_type3A, %cond3A : i32
    scf.if %cond3A_1 {
      %broadcast_in_dim3A_55 = arith.constant 0.000000e+00 : f32
      %broadcast_in_dim3A_56 = vector.broadcast %broadcast_in_dim3A_55 : f32 to vector<128x128xf32>
      %swap3A_57 = arith.constant 0 : index
      %swap3A_58 = arith.constant 0 : index
      %swap3A_59 = vector.load %arg9[%swap3A_57, %swap3A_58] : memref<128x128xf32, #tpu.memory_space<vmem>>, vector<128x128xf32>
      tpu.vector_store %arg9[%swap3A_57, %swap3A_58], %broadcast_in_dim3A_56 {strides = array<i32>} : memref<128x128xf32, #tpu.memory_space<vmem>>, vector<128x128xf32>,
      %broadcast_in_dim3A_60 = arith.constant 0.000000e+00 : f32
      %broadcast_in_dim3A_61 = vector.broadcast %broadcast_in_dim3A_60 : f32 to vector<128x128xf32>
      %swap3A_62 = arith.constant 0 : index
      %swap3A_63 = arith.constant 0 : index
      %swap3A_64 = vector.load %arg10[%swap3A_62, %swap3A_63] : memref<128x128xf32, #tpu.memory_space<vmem>>, vector<128x128xf32>
      tpu.vector_store %arg10[%swap3A_62, %swap3A_63], %broadcast_in_dim3A_61 {strides = array<i32>} : memref<128x128xf32, #tpu.memory_space<vmem>>, vector<128x128xf32>,
    } else {
    }
    %get3A = arith.constant 0 : index
    %get3A_2 = arith.constant 0 : index
    %get3A_3 = vector.load %arg3[%get3A, %get3A_2] : memref<256x1xf32, #tpu.memory_space<vmem>>, vector<256x1xf32>
    %get3A_4 = arith.constant 0 : index
    %get3A_5 = arith.constant 0 : index
    %get3A_6 = arith.constant 0 : index
    %get3A_7 = vector.load %arg1[%get3A_4, %get3A_5, %get3A_6] : memref<2x256x128xf32, #tpu.memory_space<vmem>>, vector<1x256x128xf32>
    %get3A_8 = vector.shape_cast %get3A_7 : vector<1x256x128xf32> to vector<256x128xf32>
    %get3A_9 = arith.constant 1 : index
    %get3A_10 = arith.constant 0 : index
    %get3A_11 = arith.constant 0 : index
    %get3A_12 = vector.load %arg1[%get3A_9, %get3A_10, %get3A_11] : memref<2x256x128xf32, #tpu.memory_space<vmem>>, vector<1x256x128xf32>
    %get3A_13 = vector.shape_cast %get3A_12 : vector<1x256x128xf32> to vector<256x128xf32>
    %add3A = arith.addf %get3A_8, %get3A_13 : vector<256x128xf32>
    %get3A_14 = arith.constant 0 : index
    %get3A_15 = arith.constant 0 : index
    %get3A_16 = vector.load %arg2[%get3A_14, %get3A_15] : memref<256x128xf32, #tpu.memory_space<vmem>>, vector<256x128xf32>
    %add3A_17 = arith.addf %add3A, %get3A_16 : vector<256x128xf32>
    %mul3A = vector.broadcast %get3A_3 : vector<256x1xf32> to vector<256x128xf32>
    %mul3A_18 = arith.mulf %mul3A, %add3A_17 : vector<256x128xf32>
    %get3A_19 = arith.constant 0 : index
    %get3A_20 = arith.constant 0 : index
    %get3A_21 = vector.load %arg4[%get3A_19, %get3A_20] : memref<1x128xf32, #tpu.memory_space<vmem>>, vector<1x128xf32>
    %add3A_22 = vector.broadcast %get3A_21 : vector<1x128xf32> to vector<256x128xf32>
    %add3A_23 = arith.addf %mul3A_18, %add3A_22 : vector<256x128xf32>
    %max3A = arith.constant 0.000000e+00 : f32
    %max3A_24 = vector.broadcast %max3A : f32 to vector<256x128xf32>
    %max3A_25 = arith.maximumf %add3A_23, %max3A_24 : vector<256x128xf32>
    %iota3A = tpu.iota {dimensions = array<i32: 1>} : vector<256x128xi32>
    %get3A_26 = arith.constant 0 : index
    %get3A_27 = arith.constant 0 : index
    %get3A_28 = vector.load %arg5[%get3A_26, %get3A_27] : memref<256x1xi32, #tpu.memory_space<vmem>>, vector<256x1xi32>
    %eq3A_29 = vector.broadcast %get3A_28 : vector<256x1xi32> to vector<256x128xi32>
    %eq3A_30 = arith.cmpi eq, %eq3A_29, %iota3A : vector<256x128xi32>
    %convert_element_type3A_31 = arith.extui %eq3A_30 : vector<256x128xi1> to vector<256x128xi32>
    %convert_element_type3A_32 = arith.sitofp %convert_element_type3A_31 : vector<256x128xi32> to vector<256x128xf32>
    %get3A_33 = arith.constant 0 : index
    %get3A_34 = arith.constant 0 : index
    %get3A_35 = vector.load %arg9[%get3A_33, %get3A_34] : memref<128x128xf32, #tpu.memory_space<vmem>>, vector<128x128xf32>
    %dot_general3A = arith.constant dense<0.000000e+00> : vector<128x128xf32>
    %dot_general3A_36 = tpu.matmul %convert_element_type3A_32, %max3A_25, %dot_general3A {dimension_numbers = #tpu.dot_dimension_numbers<[0], [0], [1], [1], [0, 1, 1, 1], [], []>, transpose_lhs_hint = false} : vector<256x128xf32>, vector<256x128xf32>, vector<128x128xf32> -> vector<128x128xf32>
    %add3A_37 = arith.addf %get3A_35, %dot_general3A_36 : vector<128x128xf32>
    %swap3A = arith.constant 0 : index
    %swap3A_38 = arith.constant 0 : index
    %swap3A_39 = vector.load %arg9[%swap3A, %swap3A_38] : memref<128x128xf32, #tpu.memory_space<vmem>>, vector<128x128xf32>
    tpu.vector_store %arg9[%swap3A, %swap3A_38], %add3A_37 {strides = array<i32>} : memref<128x128xf32, #tpu.memory_space<vmem>>, vector<128x128xf32>,
    %get3A_40 = arith.constant 0 : index
    %get3A_41 = arith.constant 0 : index
    %get3A_42 = vector.load %arg10[%get3A_40, %get3A_41] : memref<128x128xf32, #tpu.memory_space<vmem>>, vector<128x128xf32>
    %broadcast_in_dim3A = arith.constant 1.000000e+00 : f32
    %broadcast_in_dim3A_43 = vector.broadcast %broadcast_in_dim3A : f32 to vector<256x128xf32>
    %dot_general3A_44 = arith.constant dense<0.000000e+00> : vector<128x128xf32>
    %dot_general3A_45 = tpu.matmul %convert_element_type3A_32, %broadcast_in_dim3A_43, %dot_general3A_44 {dimension_numbers = #tpu.dot_dimension_numbers<[0], [0], [1], [1], [0, 1, 1, 1], [], []>, transpose_lhs_hint = false} : vector<256x128xf32>, vector<256x128xf32>, vector<128x128xf32> -> vector<128x128xf32>
    %add3A_46 = arith.addf %get3A_42, %dot_general3A_45 : vector<128x128xf32>
    %swap3A_47 = arith.constant 0 : index
    %swap3A_48 = arith.constant 0 : index
    %swap3A_49 = vector.load %arg10[%swap3A_47, %swap3A_48] : memref<128x128xf32, #tpu.memory_space<vmem>>, vector<128x128xf32>
    tpu.vector_store %arg10[%swap3A_47, %swap3A_48], %add3A_46 {strides = array<i32>} : memref<128x128xf32, #tpu.memory_space<vmem>>, vector<128x128xf32>,
    %eq3A_50 = arith.constant 39 : i32
    %eq3A_51 = arith.cmpi eq, %arg0, %eq3A_50 : i32
    %convert_element_type3A_52 = arith.extui %eq3A_51 : i1 to i32
    %cond3A_53 = arith.constant 0 : i32
    %cond3A_54 = arith.cmpi ne, %convert_element_type3A_52, %cond3A_53 : i32
    scf.if %cond3A_54 {
      %get3A_55 = arith.constant 0 : index
      %get3A_56 = arith.constant 0 : index
      %get3A_57 = vector.load %arg9[%get3A_55, %get3A_56] : memref<128x128xf32, #tpu.memory_space<vmem>>, vector<128x128xf32>
      %get3A_58 = arith.constant 0 : index
      %get3A_59 = arith.constant 0 : index
      %get3A_60 = vector.load %arg10[%get3A_58, %get3A_59] : memref<128x128xf32, #tpu.memory_space<vmem>>, vector<128x128xf32>
      %max3A_61 = arith.constant 1.000000e+00 : f32
      %max3A_62 = vector.broadcast %max3A_61 : f32 to vector<128x128xf32>
      %max3A_63 = arith.maximumf %get3A_60, %max3A_62 : vector<128x128xf32>
      %div3A = arith.divf %get3A_57, %max3A_63 : vector<128x128xf32>
      %get3A_64 = arith.constant 0 : index
      %get3A_65 = arith.constant 0 : index
      %get3A_66 = vector.load %arg6[%get3A_64, %get3A_65] : memref<128x128xf32, #tpu.memory_space<vmem>>, vector<128x128xf32>
      %dot_general3A_67 = arith.constant dense<0.000000e+00> : vector<128x128xf32>
      %dot_general3A_68 = tpu.matmul %div3A, %get3A_66, %dot_general3A_67 {dimension_numbers = #tpu.dot_dimension_numbers<[1], [0], [0], [1], [0, 0, 1, 1], [], []>, transpose_lhs_hint = false} : vector<128x128xf32>, vector<128x128xf32>, vector<128x128xf32> -> vector<128x128xf32>
      %get3A_69 = arith.constant 0 : index
      %get3A_70 = arith.constant 0 : index
      %get3A_71 = vector.load %arg7[%get3A_69, %get3A_70] : memref<1x128xf32, #tpu.memory_space<vmem>>, vector<1x128xf32>
      %add3A_72 = vector.broadcast %get3A_71 : vector<1x128xf32> to vector<128x128xf32>
      %add3A_73 = arith.addf %dot_general3A_68, %add3A_72 : vector<128x128xf32>
      %swap3A_74 = arith.constant 0 : index
      %swap3A_75 = arith.constant 0 : index
      %swap3A_76 = vector.load %arg8[%swap3A_74, %swap3A_75] : memref<128x128xf32, #tpu.memory_space<vmem>>, vector<128x128xf32>
      tpu.vector_store %arg8[%swap3A_74, %swap3A_75], %add3A_73 {strides = array<i32>} : memref<128x128xf32, #tpu.memory_space<vmem>>, vector<128x128xf32>,
    } else {
    }
    return
  }
  func.func @transform_0(%arg0: i32) -> (i32, i32, i32) {
    %c0_i32 = arith.constant 0 : i32
    %c0_i32_0 = arith.constant 0 : i32
    %c0_i32_1 = arith.constant 0 : i32
    return %c0_i32, %arg0, %c0_i32_0 : i32, i32, i32
  }
  func.func @transform_1(%arg0: i32) -> (i32, i32) {
    %c0_i32 = arith.constant 0 : i32
    %c0_i32_0 = arith.constant 0 : i32
    return %arg0, %c0_i32 : i32, i32
  }
  func.func @transform_2(%arg0: i32) -> (i32, i32) {
    %c0_i32 = arith.constant 0 : i32
    %c0_i32_0 = arith.constant 0 : i32
    return %arg0, %c0_i32 : i32, i32
  }
  func.func @transform_3(%arg0: i32) -> (i32, i32) {
    %c0_i32 = arith.constant 0 : i32
    %c0_i32_0 = arith.constant 0 : i32
    %c0_i32_1 = arith.constant 0 : i32
    return %c0_i32, %c0_i32_0 : i32, i32
  }
  func.func @transform_4(%arg0: i32) -> (i32, i32) {
    %c0_i32 = arith.constant 0 : i32
    %c0_i32_0 = arith.constant 0 : i32
    return %arg0, %c0_i32 : i32, i32
  }
  func.func @transform_5(%arg0: i32) -> (i32, i32) {
    %c0_i32 = arith.constant 0 : i32
    %c0_i32_0 = arith.constant 0 : i32
    %c0_i32_1 = arith.constant 0 : i32
    return %c0_i32, %c0_i32_0 : i32, i32
  }
  func.func @transform_6(%arg0: i32) -> (i32, i32) {
    %c0_i32 = arith.constant 0 : i32
    %c0_i32_0 = arith.constant 0 : i32
    %c0_i32_1 = arith.constant 0 : i32
    return %c0_i32, %c0_i32_0 : i32, i32
  }
  func.func @transform_7(%arg0: i32) -> (i32, i32) {
    %c0_i32 = arith.constant 0 : i32
    %c0_i32_0 = arith.constant 0 : i32
    %c0_i32_1 = arith.constant 0 : i32
    return %c0_i32, %c0_i32_0 : i32, i32
  }
}

</mosaic_0001>

<sc_bundles>
// kernel: kernel.11.cloned.1.call-start
scs
__scs_entry_jumppad:
0x0: {  	(pc) =	sbr.rel $0x88, $3  }
0x1: {  	(tag) =	ssettag $0x0;
	lr =	simm.s32 $0x1  }
0x2: {  	[smem:$0x3F97] =	sst lr;
	_ =	strace $0xD0000000  }
0x3: {  	_ = 	snop  }
0x4: {  	_ = 	snop  }
0x5: {  	_ = 	snop  }
0x6: {  	_ = 	snop  }
0x7: {  	_ = 	snop  }
__scs_overlays_trampoline_lowered:
0x8: {  	[smem:$0x3FA6] =	sst s0  }
0x9: {  	[smem:$0x3FA7] =	sst s1  }
0xa: {  	[smem:$0x3FA8] =	sst s2  }
0xb: {  	[smem:$0x3FA9] =	sst s3  }
0xc: {  	[smem:$0x3FAA] =	sst s4  }
0xd: {  	[smem:$0x3FAB] =	sst s5  }
0xe: {  	[smem:$0x3FAC] =	sst s6  }
0xf: {  	[smem:$0x3FAD] =	sst s7  }
0x10: {  	[smem:$0x3FAE] =	sst s8  }
0x11: {  	[smem:$0x3FAF] =	sst s9;
	s0 =	simm.s32 @!p0 $0x0  }
0x12: {  	s1 =	sld [smem:$0x3F95];
	s0 =	simm.s32 @p0 $0x1  }
0x13: {  	[smem:$0x3FB0] =	sst s0;
	s0 =	simm.s32 @!p1 $0x0  }
0x14: {  	s2 =	sld [smem:$0x3F94];
	s0 =	simm.s32 @p1 $0x1  }
0x15: {  	[smem:$0x3FB1] =	sst s0;
	s0 =	simm.s32 @!p2 $0x0  }
0x16: {  	s3 =	sld [smem:$0x3FDB];
	s0 =	simm.s32 @p2 $0x1  }
0x17: {  	s4 =	simm.s32 $0x1BF5;
	[smem:$0x3FB3] =	sst s0  }
0x18: {  	s0 =	sld [smem:$0x3F96];
	_ =	swait.ge [sflag:s4], $0x0  }
0x19: {  	s7 =	sld [smem:$0x3F97]  }
0x1a: {  	s8 =	sadd.s32 $0xFFFFE003, lr  }
0x1b: {  	s9 =	sadd.s32 $0xFFFFFEF7, lr;
	s5 =	simm.s32 $0xFFFFFFFF;
	p2 =	slt.u32 s8, $0xFFFFF086  }
0x1c: {  	p1 =	slt.u32 s9, $0xF7A;
	s5 =	simm.s32 @!p2 $0x0  }
0x1d: {  	s5 =	simm.s32 @p1 $0x1;
	p0 =	seq.s32 s7, s2  }
0x1e: {  	s7 =	smul.u32 @!p0 $0xF7A, s2;
	p2 =	seq.s32 @!p0 s5, $0x0  }
0x1f: {  	s9 =	smul.u32 $0xF7A, s1;
	s8 =	simm.s32 @!p0 $0x1BF5;
	p2 =	por !p2, p0  }
0x20: {  	[sflag:s8] =	ssyncset.s32 @!p0 $0xFFFFF086;
	s6 =	sadd.s32 @!p0 s3, s7;
	s7 =	simm.s32 @!p0 $0x108  }
0x21: {  	s3 =	sadd.s32 s3, s9;
	s6 =	sadd.s32 @!p0 $0x88, s6;
	s7 =	simm.s32 @p2 $0x1082  }
0x22: {  	[simem:s7], [sflag:s8] =	dma.local @!p0 [hbm:s6], $0xF7A  }
0x23: {  	s9 =	sor.u32 $0xD0000000, s2;
	s6 =	simm.s32 $0x108;
	_ =	swait.ge @!p0 [sflag:s8], $0x0  }
0x24: {  	s3 =	sadd.s32 $0x88, s3;
	s6 =	simm.s32 @!p1 $0x1082;
	[sflag:s4] =	ssyncset.s32 $0xFFFFF086  }
0x25: {  	[simem:s6], [sflag:s4] =	dma.local [hbm:s3], $0xF7A  }
0x26: {  	[smem:$0x3F97] =	sst s1;
	(tag) =	ssettag s2;
	_ =	strace s9  }
0x27: {  	s1 =	sld [smem:$0x3FA7]  }
0x28: {  	s2 =	sld [smem:$0x3FA8]  }
0x29: {  	s4 =	sld [smem:$0x3FAA]  }
0x2a: {  	p0 =	seq.s32 s5, $0x0;
	s5 =	sld [smem:$0x3FAB]  }
0x2b: {  	s6 =	sld [smem:$0x3FAC]  }
0x2c: {  	s7 =	sld [smem:$0x3FAD]  }
0x2d: {  	s3 =	simm.s32 $0x108;
	s8 =	sld [smem:$0x3FAE]  }
0x2e: {  	s3 =	simm.s32 @!p0 $0x1082;
	s9 =	sld [smem:$0x3FAF]  }
0x2f: {  	lr =	sadd.s32 s0, s3;
	s0 =	sld [smem:$0x3FA6]  }
0x30: {  	s3 =	sld [smem:$0x3FA9]  }
0x31: {  	[smem:$0x3FB2] =	sst s10  }
0x32: {  	s10 =	sld [smem:$0x3FB0];
	_ =	sdelay $0x3  }
0x33: {  	p0 =	seq.s32 s10, $0x1;
	s10 =	sld [smem:$0x3FB2];
	_ =	sdelay $0x3  }
0x34: {  	[smem:$0x3FB2] =	sst s10  }
0x35: {  	s10 =	sld [smem:$0x3FB1];
	_ =	sdelay $0x3  }
0x36: {  	p1 =	seq.s32 s10, $0x1;
	s10 =	sld [smem:$0x3FB2];
	_ =	sdelay $0x3  }
0x37: {  	[smem:$0x3FB2] =	sst s10  }
0x38: {  	s10 =	sld [smem:$0x3FB3]  }
0x39: {  	_ = 	snop;
	(pc) =	sbr.ind lr, $3  }
0x3a: {  	_ = 	snop  }
0x3b: {  	_ = 	snop  }
0x3c: {  	p2 =	seq.s32 s10, $0x1;
	s10 =	sld [smem:$0x3FB2]  }
0x3d: {  	_ =	shalt  }
0x3e: {  	_ =	shalt  }
0x3f: {  	_ =	shalt  }
0x40: {  	_ =	shalt  }
0x41: {  	_ =	shalt  }
0x42: {  	_ =	shalt  }
0x43: {  	_ =	shalt  }
0x44: {  	_ =	shalt  }
0x45: {  	_ =	shalt  }
0x46: {  	_ =	shalt  }
0x47: {  	_ =	shalt  }
0x48: {  	_ =	shalt  }
0x49: {  	_ =	shalt  }
0x4a: {  	_ =	shalt  }
0x4b: {  	_ =	shalt  }
0x4c: {  	_ =	shalt  }
0x4d: {  	_ =	shalt  }
0x4e: {  	_ =	shalt  }
0x4f: {  	_ =	shalt  }
0x50: {  	_ =	shalt  }
0x51: {  	_ =	shalt  }
0x52: {  	_ =	shalt  }
0x53: {  	_ =	shalt  }
0x54: {  	_ =	shalt  }
0x55: {  	_ =	shalt  }
0x56: {  	_ =	shalt  }
0x57: {  	_ =	shalt  }
0x58: {  	_ =	shalt  }
0x59: {  	_ =	shalt  }
0x5a: {  	_ =	shalt  }
0x5b: {  	_ =	shalt  }
0x5c: {  	_ =	shalt  }
0x5d: {  	_ =	shalt  }
0x5e: {  	_ =	shalt  }
0x5f: {  	_ =	shalt  }
0x60: {  	_ =	shalt  }
0x61: {  	_ =	shalt  }
0x62: {  	_ =	shalt  }
0x63: {  	_ =	shalt  }
0x64: {  	_ =	shalt  }
0x65: {  	_ =	shalt  }
0x66: {  	_ =	shalt  }
0x67: {  	_ =	shalt  }
0x68: {  	_ =	shalt  }
0x69: {  	_ =	shalt  }
0x6a: {  	_ =	shalt  }
0x6b: {  	_ =	shalt  }
0x6c: {  	_ =	shalt  }
0x6d: {  	_ =	shalt  }
0x6e: {  	_ =	shalt  }
0x6f: {  	_ =	shalt  }
0x70: {  	_ =	shalt  }
0x71: {  	_ =	shalt  }
0x72: {  	_ =	shalt  }
0x73: {  	_ =	shalt  }
0x74: {  	_ =	shalt  }
0x75: {  	_ =	shalt  }
0x76: {  	_ =	shalt  }
0x77: {  	_ =	shalt  }
0x78: {  	_ =	shalt  }
0x79: {  	_ =	shalt  }
0x7a: {  	_ =	shalt  }
0x7b: {  	_ =	shalt  }
0x7c: {  	_ =	shalt  }
0x7d: {  	_ =	shalt  }
0x7e: {  	_ =	shalt  }
0x7f: {  	_ =	shalt  }
0x80: {  	_ =	shalt  }
0x81: {  	_ =	shalt  }
0x82: {  	_ =	shalt  }
0x83: {  	_ =	shalt  }
0x84: {  	_ =	shalt  }
0x85: {  	_ =	shalt  }
0x86: {  	_ =	shalt  }
0x87: {  	_ =	shalt  }
.Lfunc_end0:
.L_simem_size_0:
called_computation.1_lowered:
.L_overlay_start_0:
0x88: {  	s2 =	sld [smem:$0x3FD9]  }
0x89: {  	s3 =	sld [smem:$0x3FFE];
	_ =	sdelay $0x1  }
0x8a: {  	s1 =	srdreg.scid  }
0x8b: {  	s0 =	sand.u32 $0x1, s1  }
0x8c: {  	s16 =	sshll.u32 s0, $0xA;
	s2 =	sadd.s32 s3, s2  }
0x8d: {  	s2 =	sadd.s32 s2, s16  }
0x8e: {  	[smem:$0x3FBE] =	sst s2  }
0x8f: {  	_ = 	snop  }
0x90: {  	(tm) =	ssettm $0x1  }
0x91: {  	s17 =	sld [smem:$0x3FFB];
	_ =	sdelay $0x3  }
0x92: {  	_ =	strace s17  }
0x93: {  	s2 =	sld [smem:$0x3FFC];
	_ =	sdelay $0x3  }
0x94: {  	_ =	strace s2  }
0x95: {  	s2 =	sld [smem:$0x3FFD];
	_ =	sdelay $0x3  }
0x96: {  	_ =	strace s2  }
0x97: {  	_ =	strace $0x8FFFFFFF  }
0x98: {  	s18 =	sld [smem:$0x3FDB];
	_ =	sdelay $0x1  }
0x99: {  	s19 =	simm.s32 $_scs_section_size  }
0x9a: {  	s4 =	simm.s32 $_size__tile_overlayer_lowered;
	s5 =	simm.s32 $_tile_overlayer_lowered  }
0x9b: {  	s22 =	simm.s32 $0x1BFF;
	s21 =	sshll.u32 s5, $0x1;
	s2 =	sadd.s32 s19, s18  }
0x9c: {  	s6 =	simm.s32 $0x0;
	s20 =	sshll.u32 s4, $0x1;
	s4 =	sadd.s32 s21, s2  }
0x9d: {  	[timem:s6], [sflag:s22] =	dma.local [hbm:s4], s20  }
0x9e: {  	_ =	swait.ge [sflag:s22], s20  }
0x9f: {  	s3 =	ssub.s32 $0x0, s20;
	[sflag:s22] =	ssyncset.done $0x0  }
0xa0: {  	[sflag:s22] =	ssyncadd.s32 s3;
	_ =	sdelay $0x1  }
0xa1: {  	s23 =	simm.s32 $0x1B8B  }
0xa2: {  	_ =	swait.ge [sflag:s23], $0x1  }
0xa3: {  	[sflag:s23] =	ssyncset.done $0x0  }
0xa4: {  	s25 =	simm.s32 $0x1B8E;
	s24 =	sld [smem:$0x3FFE];
	[sflag:s23] =	ssyncadd.s32 $0xFFFFFFFF  }
0xa5: {  	s26 =	simm.s32 $execute0_lowered;
	[smem:$0x3FD2] =	sst s25  }
0xa6: {  	s4 =	sshll.u32 s26, $0x1;
	_ =	strace $0x80000049;
	[dreg:$0x1] =	wrdreg $0xFFFFFFFF  }
0xa7: {  	s28 =	simm.s32 $_size_execute0_lowered;
	s2 =	sadd.s32 s2, s4;
	[dreg:$0x0] =	wrdreg $0x0  }
0xa8: {  	s4 =	sshll.u32 s28, $0x1;
	[dreg:$0x2] =	wrdreg s2  }
0xa9: {  	[dreg:$0x3] =	wrdreg s4  }
0xaa: {  	[dreg:$0x4] =	wrdreg $0xC0  }
0xab: {  	_ =	task [dreg:s6], $0x5FFFF  }
0xac: {  	[dreg:$0x1] =	wrdreg $0xFFFFFFFF  }
0xad: {  	[dreg:$0x0] =	wrdreg $0x60  }
0xae: {  	[dreg:$0x2] =	wrdreg s24  }
0xaf: {  	[dreg:$0x3] =	wrdreg $0xA8000  }
0xb0: {  	[dreg:$0x4] =	wrdreg $0x9  }
0xb1: {  	_ =	task.clear_ibuf [dreg:s6], $0x5FFFF;
	_ =	strace $0x90000049  }
0xb2: {  	s29 =	simm.s32 $0x9;
	_ =	strace $0x8000004B  }
0xb3: {  	_ =	swait.ge [sflag:s29], $0x1  }
0xb4: {  	[sflag:s29] =	ssyncadd.s32 $0xFFFFFFFF  }
0xb5: {  	_ =	strace $0x9000004B  }
0xb6: {  	_ =	sfence  }
0xb7: {  	s30 =	sld [smem:$0x0];
	_ =	sdelay $0x2  }
0xb8: {  	s31 =	sshll.u32 s1, $0xD;
	s1 =	sshrl.u32 s1, $0x2  }
0xb9: {  	s3 =	sand.u32 $0x4000, s31;
	s1 =	sadd.s32 s1, s30  }
0xba: {  	s0 =	sor.u32 s3, s0;
	s1 =	sshll.u32 s1, $0x11  }
0xbb: {  	s0 =	sor.u32 s1, s0  }
0xbc: {  	s0 =	sadd.s32 $0x8F2B, s0  }
0xbd: {  	[sflag:s0] =	ssyncadd.remote.s32 $0x1  }
0xbe: {  	_ =	sfence.sel $0xFFFF  }
0xbf: {  	[dreg:$0x0] =	wrdreg $0xFFFFFFFF;
	(pc) =	sbr.abs _section_cstart, $3  }
0xc0: {  	[dreg:$0x1] =	wrdreg $0xFFFFFFFF  }
0xc1: {  	_ =	task.clear_ibuf [dreg:s6], $0x2FFFF;
	_ =	strace $0x9FFFFFFF  }
0xc2: {  	(tm) =	ssettm $0x7FFFFFFF  }
0xc3: {  	_ =	shalt  }
tec
execute0_lowered:
.L_overlay_start_1:
0x0: {  	(tag) =	ssettag $0x1  }
0x1: {  	s5 =	rddreg [dreg:$0x0]  }
0x2: {  	s2 =	rddreg [dreg:$0x1]  }
0x3: {  	s0 =	rddreg [dreg:$0x2];
	s3 =	simm.s32 $0x0;
	s1 =	stileid.u32  }
0x4: {  	s4 =	srdreg.scid;
	s16 =	simm.s32 $0x80;
	s17 =	simm.s32 $0x2800  }
0x5: {  	s18 =	simm.s32 $0x1;
	s19 =	simm.s32 $0x6800;
	s20 =	simm.s32 $0x2  }
0x6: {  	s21 =	simm.s32 $0x3;
	s22 =	simm.s32 $0x100;
	s23 =	simm.s32 $0x1480  }
0x7: {  	s24 =	simm.s32 $0x4;
	s25 =	simm.s32 $0x0;
	[smem:$0x7FF] =	sst s3  }
0x8: {  	s6 =	smul.u32 $0x14000, s1;
	s7 =	sand.u32 $0x1, s4;
	s4 =	sadd.s32 $0x3F800, s5  }
0x9: {  	s10 =	sadd.s32 $0x3800, s5;
	s11 =	sadd.s32 $0xD800, s5;
	s26 =	smul.u32 $0x50000, s1  }
0xa: {  	s12 =	sshll.u32 s1, $0x1;
	s30 =	sshll.u32 s1, $0x6;
	_ =	strace $0x8000004A  }
0xb: {  	s9 =	smul.u32 $0x140000, s7;
	s13 =	ssub.s32 $0x2, s7;
	s7 =	sor.u32 s7, s12  }
0xc: {  	s8 =	sshrl.u32 s6, $0x3;
	s28 =	sshrl.u32 s13, $0x1;
	s7 =	smul.u32 $0x2800, s7  }
0xd: {  	s8 =	sadd.s32 s8, s5;
	s6 =	sadd.s32 s6, s9;
	s9 =	sshrl.u32 s26, $0x2  }
0xe: {  	s12 =	ssub.s32 s13, s28;
	s6 =	sshrl.u32 s6, $0x3;
	s29 =	sadd.s32 s9, s2  }
.Ltmp0:
0xf: {  	s31 =	sshrl.u32 s7, $0x3;
	s12 =	smax.u32 s12, $0x1;
	(pc) =	sbr.rel .LBB2_1-.Ltmp0, $4  }
0x10: {  	s14 =	sadd.s32 s6, s5;
	s5 =	sadd.s32 $0x17800, s8;
	s6 =	sor.u32 $0x1C05, s30  }
0x11: {  	s7 =	sadd.s32 s10, s31;
	s15 =	sadd.s32 $0x280, s31;
	s8 =	sadd.s32 s11, s31  }
0x12: {  	s13 =	sshrl.u32 s29, $0x3;
	s9 =	sadd.s32 s10, s15;
	s10 =	sadd.s32 s11, s15  }
0x13: {  	s11 =	sadd.s32 $0x67800, s14;
	s14 =	simm.s32 $0x5;
	s15 =	simm.s32 $0x1400  }
.LBB2_7:
0x14: {  	[spmem:s2] =	stream.indirect.scatter.add.f32 [tilespmem:s19], [sflag:$0x4], $0x80, s29, s16, $0xb8;
	[tilespmem:$0x1E800] =	vst v63  }
0x15: {  	_ =	swait.ge [sflag:s21], $0x4000  }
0x16: {  	[sflag:s21] =	ssyncset.done $0x0  }
0x17: {  	[sflag:s21] =	ssyncadd.s32 $0xFFFFC000  }
0x18: {  	_ =	swait.ge [sflag:s24], $0x4000  }
0x19: {  	s25 =	sadd.s32 $0x1, s25;
	[sflag:s24] =	ssyncset.done $0x0  }
0x1a: {  	p0 =	sne.s32 s25, s12;
	[sflag:s24] =	ssyncadd.s32 $0xFFFFC000  }
.Ltmp1:
0x1b: {  	[bflag:$0x0] =	sbarrier.arrive $0xFFFF;
	(pc) =	sbr.rel @!p0 .LBB2_8-.Ltmp1, $4  }
0x1c: {  	[hbm:s11], [sflag:s6] =	dma.local [spmem:s13], $0x2800  }
0x1d: {  	_ =	swait.ge [sflag:s14], $0x2800  }
0x1e: {  	[sflag:s14] =	ssyncset.done $0x0  }
0x1f: {  	[sflag:s14] =	ssyncadd.s32 $0xFFFFD800  }
.LBB2_1:
0x20: {  	[spmem:s13], [sflag:s6] =	dma.local [hbm:s5], $0x2800  }
0x21: {  	_ =	swait.ge [sflag:s14], $0x2800  }
0x22: {  	[sflag:s14] =	ssyncset.done $0x0  }
0x23: {  	[sflag:s14] =	ssyncadd.s32 $0xFFFFD800  }
0x24: {  	[bflag:$0x0] =	sbarrier.arrive $0xFFFF  }
0x25: {  	[tilespmem:s3], [sflag:$0x5] =	stream.linear.gather [hbm4b:s7+s3], $0x1400, $0x38;
	[tilespmem:$0x1E800] =	vst v63  }
0x26: {  	_ =	swait.ge [sflag:s14], $0x1400  }
0x27: {  	[sflag:s14] =	ssyncset.done $0x0  }
0x28: {  	[sflag:s14] =	ssyncadd.s32 $0xFFFFEC00  }
0x29: {  	[tilespmem:s15], [sflag:$0x5] =	stream.linear.gather [hbm4b:s8+s3], $0x1400, $0x38;
	[tilespmem:$0x1E800] =	vst v63  }
0x2a: {  	_ =	swait.ge [sflag:s14], $0x1400  }
0x2b: {  	[sflag:s14] =	ssyncset.done $0x0  }
0x2c: {  	[sflag:s14] =	ssyncadd.s32 $0xFFFFEC00  }
0x2d: {  	[tilespmem:s17], [sflag:$0x1] =	stream.indirect.gather [hbm4b:s4+s16], $0x80, s3, s16, $0xb8;
	[tilespmem:$0x1E800] =	vst v63  }
0x2e: {  	_ =	swait.ge [sflag:s18], $0x4000  }
0x2f: {  	[sflag:s18] =	ssyncset.done $0x0  }
0x30: {  	[sflag:s18] =	ssyncadd.s32 $0xFFFFC000  }
0x31: {  	[tilespmem:s19], [sflag:$0x2] =	stream.indirect.gather [hbm4b:s4+s16], $0x80, s16, s16, $0xb8;
	[tilespmem:$0x1E800] =	vst v63  }
0x32: {  	_ = 	snop  }
0x33: {  	[spmem:s2] =	stream.indirect.scatter.add.f32 [tilespmem:s17], [sflag:$0x3], $0x80, s15, s16, $0xb8;
	[tilespmem:$0x1E800] =	vst v63  }
0x34: {  	_ =	swait.ge [sflag:s20], $0x4000  }
0x35: {  	[sflag:s20] =	ssyncset.done $0x0  }
0x36: {  	[sflag:s20] =	ssyncadd.s32 $0xFFFFC000  }
0x37: {  	_ =	swait.ge [sflag:s21], $0x4000  }
0x38: {  	[sflag:s21] =	ssyncset.done $0x0  }
0x39: {  	[sflag:s21] =	ssyncadd.s32 $0xFFFFC000  }
0x3a: {  	[tilespmem:s17], [sflag:$0x1] =	stream.indirect.gather [hbm4b:s4+s16], $0x80, s22, s16, $0xb8;
	[tilespmem:$0x1E800] =	vst v63  }
0x3b: {  	s26 =	simm.s32 $0xFFFFB800  }
0x3c: {  	[spmem:s2] =	stream.indirect.scatter.add.f32 [tilespmem:s19], [sflag:$0x4], $0x80, s23, s16, $0xb8;
	[tilespmem:$0x1E800] =	vst v63  }
.LBB2_2:
0x3d: {  	_ =	swait.ge [sflag:s18], $0x4000  }
0x3e: {  	[sflag:s18] =	ssyncset.done $0x0  }
0x3f: {  	[sflag:s18] =	ssyncadd.s32 $0xFFFFC000  }
0x40: {  	_ =	swait.ge [sflag:s24], $0x4000  }
0x41: {  	s28 =	sshra.s32 s26, $0x2;
	[sflag:s24] =	ssyncset.done $0x0  }
0x42: {  	p0 =	seq.s32 s26, $0x0;
	s29 =	sadd.s32 $0x1380, s28;
	[sflag:s24] =	ssyncadd.s32 $0xFFFFC000  }
0x43: {  	[tilespmem:s19], [sflag:$0x2] =	stream.indirect.gather [hbm4b:s4+s16], $0x80, s29, s16, $0xb8;
	[tilespmem:$0x1E800] =	vst v63  }
.Ltmp2:
0x44: {  	s29 =	sadd.s32 $0x2700, s28;
	(pc) =	sbr.rel @p0 .LBB2_4-.Ltmp2, $4  }
0x45: {  	[spmem:s2] =	stream.indirect.scatter.add.f32 [tilespmem:s17], [sflag:$0x3], $0x80, s29, s16, $0xb8;
	[tilespmem:$0x1E800] =	vst v63  }
0x46: {  	_ =	swait.ge [sflag:s20], $0x4000  }
0x47: {  	[sflag:s20] =	ssyncset.done $0x0  }
0x48: {  	s29 =	sadd.s32 $0x2780, s28;
	[sflag:s20] =	ssyncadd.s32 $0xFFFFC000  }
0x49: {  	_ =	swait.ge [sflag:s21], $0x4000  }
.Ltmp3:
0x4a: {  	[sflag:s21] =	ssyncset.done $0x0;
	(pc) =	sbr.rel .LBB2_2-.Ltmp3, $4  }
0x4b: {  	s28 =	sadd.s32 $0x1400, s28;
	[sflag:s21] =	ssyncadd.s32 $0xFFFFC000  }
0x4c: {  	[tilespmem:s17], [sflag:$0x1] =	stream.indirect.gather [hbm4b:s4+s16], $0x80, s28, s16, $0xb8;
	[tilespmem:$0x1E800] =	vst v63  }
0x4d: {  	s26 =	sadd.s32 $0x400, s26  }
0x4e: {  	[spmem:s2] =	stream.indirect.scatter.add.f32 [tilespmem:s19], [sflag:$0x4], $0x80, s29, s16, $0xb8;
	[tilespmem:$0x1E800] =	vst v63  }
.LBB2_4:
0x4f: {  	[spmem:s2] =	stream.indirect.scatter.add.f32 [tilespmem:s19], [sflag:$0x4], $0x80, s29, s16, $0xb8;
	[tilespmem:$0x1E800] =	vst v63  }
0x50: {  	_ =	swait.ge [sflag:s21], $0x4000  }
0x51: {  	[sflag:s21] =	ssyncset.done $0x0  }
0x52: {  	[sflag:s21] =	ssyncadd.s32 $0xFFFFC000  }
0x53: {  	_ =	swait.ge [sflag:s24], $0x4000  }
0x54: {  	[sflag:s24] =	ssyncset.done $0x0  }
0x55: {  	[sflag:s24] =	ssyncadd.s32 $0xFFFFC000  }
0x56: {  	[tilespmem:s3], [sflag:$0x5] =	stream.linear.gather [hbm4b:s9+s3], $0x1400, $0x38;
	[tilespmem:$0x1E800] =	vst v63  }
0x57: {  	_ =	swait.ge [sflag:s14], $0x1400  }
0x58: {  	[sflag:s14] =	ssyncset.done $0x0  }
0x59: {  	[sflag:s14] =	ssyncadd.s32 $0xFFFFEC00  }
0x5a: {  	[tilespmem:s15], [sflag:$0x5] =	stream.linear.gather [hbm4b:s10+s3], $0x1400, $0x38;
	[tilespmem:$0x1E800] =	vst v63  }
0x5b: {  	_ =	swait.ge [sflag:s14], $0x1400  }
0x5c: {  	[sflag:s14] =	ssyncset.done $0x0  }
0x5d: {  	[sflag:s14] =	ssyncadd.s32 $0xFFFFEC00  }
0x5e: {  	[tilespmem:s17], [sflag:$0x1] =	stream.indirect.gather [hbm4b:s4+s16], $0x80, s3, s16, $0xb8;
	[tilespmem:$0x1E800] =	vst v63  }
0x5f: {  	_ =	swait.ge [sflag:s18], $0x4000  }
0x60: {  	[sflag:s18] =	ssyncset.done $0x0  }
0x61: {  	[sflag:s18] =	ssyncadd.s32 $0xFFFFC000  }
0x62: {  	[tilespmem:s19], [sflag:$0x2] =	stream.indirect.gather [hbm4b:s4+s16], $0x80, s16, s16, $0xb8;
	[tilespmem:$0x1E800] =	vst v63  }
0x63: {  	_ = 	snop  }
0x64: {  	[spmem:s2] =	stream.indirect.scatter.add.f32 [tilespmem:s17], [sflag:$0x3], $0x80, s15, s16, $0xb8;
	[tilespmem:$0x1E800] =	vst v63  }
0x65: {  	_ =	swait.ge [sflag:s20], $0x4000  }
0x66: {  	[sflag:s20] =	ssyncset.done $0x0  }
0x67: {  	[sflag:s20] =	ssyncadd.s32 $0xFFFFC000  }
0x68: {  	_ =	swait.ge [sflag:s21], $0x4000  }
0x69: {  	[sflag:s21] =	ssyncset.done $0x0  }
0x6a: {  	[sflag:s21] =	ssyncadd.s32 $0xFFFFC000  }
0x6b: {  	[tilespmem:s17], [sflag:$0x1] =	stream.indirect.gather [hbm4b:s4+s16], $0x80, s22, s16, $0xb8;
	[tilespmem:$0x1E800] =	vst v63  }
0x6c: {  	s26 =	simm.s32 $0xFFFFB800  }
0x6d: {  	[spmem:s2] =	stream.indirect.scatter.add.f32 [tilespmem:s19], [sflag:$0x4], $0x80, s23, s16, $0xb8;
	[tilespmem:$0x1E800] =	vst v63  }
.LBB2_5:
0x6e: {  	_ =	swait.ge [sflag:s18], $0x4000  }
0x6f: {  	[sflag:s18] =	ssyncset.done $0x0  }
0x70: {  	[sflag:s18] =	ssyncadd.s32 $0xFFFFC000  }
0x71: {  	_ =	swait.ge [sflag:s24], $0x4000  }
0x72: {  	s28 =	sshra.s32 s26, $0x2;
	[sflag:s24] =	ssyncset.done $0x0  }
0x73: {  	p0 =	seq.s32 s26, $0x0;
	s29 =	sadd.s32 $0x1380, s28;
	[sflag:s24] =	ssyncadd.s32 $0xFFFFC000  }
0x74: {  	[tilespmem:s19], [sflag:$0x2] =	stream.indirect.gather [hbm4b:s4+s16], $0x80, s29, s16, $0xb8;
	[tilespmem:$0x1E800] =	vst v63  }
.Ltmp4:
0x75: {  	s29 =	sadd.s32 $0x2700, s28;
	(pc) =	sbr.rel @p0 .LBB2_7-.Ltmp4, $4  }
0x76: {  	[spmem:s2] =	stream.indirect.scatter.add.f32 [tilespmem:s17], [sflag:$0x3], $0x80, s29, s16, $0xb8;
	[tilespmem:$0x1E800] =	vst v63  }
0x77: {  	_ =	swait.ge [sflag:s20], $0x4000  }
0x78: {  	[sflag:s20] =	ssyncset.done $0x0  }
0x79: {  	s29 =	sadd.s32 $0x2780, s28;
	[sflag:s20] =	ssyncadd.s32 $0xFFFFC000  }
0x7a: {  	_ =	swait.ge [sflag:s21], $0x4000  }
.Ltmp5:
0x7b: {  	[sflag:s21] =	ssyncset.done $0x0;
	(pc) =	sbr.rel .LBB2_5-.Ltmp5, $4  }
0x7c: {  	s28 =	sadd.s32 $0x1400, s28;
	[sflag:s21] =	ssyncadd.s32 $0xFFFFC000  }
0x7d: {  	[tilespmem:s17], [sflag:$0x1] =	stream.indirect.gather [hbm4b:s4+s16], $0x80, s28, s16, $0xb8;
	[tilespmem:$0x1E800] =	vst v63  }
0x7e: {  	s26 =	sadd.s32 $0x400, s26  }
0x7f: {  	[spmem:s2] =	stream.indirect.scatter.add.f32 [tilespmem:s19], [sflag:$0x4], $0x80, s29, s16, $0xb8;
	[tilespmem:$0x1E800] =	vst v63  }
.LBB2_8:
0x80: {  	_ =	sfence.sel $0x180000  }
0x81: {  	[bflag:$0x0] =	sbarrier.arrive $0xFFFF  }
0x82: {  	p0 =	sne.s32 s1, $0x0;
	_ =	strace $0x9000004A  }
0x83: {  	s0 =	sadd.s32 @!p0 $0x100000, s0;
	[bflag:$0x2] =	sbarrier.arrive $0xFFFF  }
0x84: {  	[sflag:s0] =	ssyncadd.tile.s32 @!p0 $0x1;
	_ =	shalt  }
.Lfunc_end2:
_tile_overlayer_lowered:
.L_overlay_start_2:
0x85: {  	(tag) =	ssettag $0x2  }
0x86: {  	s0 =	rddreg [dreg:$0x0];
	s2 =	stileid.u32  }
0x87: {  	s1 =	rddreg [dreg:$0x1];
	p0 =	sne.s32 s2, $0x0  }
0x88: {  	s3 =	rddreg [dreg:$0x2];
	[bflag:$0x3] =	sbarrier.arrive $0xFFFF;
	s2 =	simm.s32 @!p0 $0x1C05  }
0x89: {  	[timem:s3], [sflag:s2] =	dma.local @!p0 [hbm:s0], s1  }
0x8a: {  	s0 =	simm.s32 @!p0 $0x5  }
0x8b: {  	_ =	swait.ge @!p0 [sflag:s0], s1  }
0x8c: {  	s1 =	ssub.s32 @!p0 $0x0, s1;
	[sflag:s0] =	ssyncset.done @!p0 $0x0  }
0x8d: {  	[sflag:s0] =	ssyncadd.s32 @!p0 s1  }
0x8e: {  	[bflag:$0x3] =	sbarrier.arrive $0xFFFF  }
0x8f: {  	_ =	shalt  }

// kernel: kernel.14.cloned.1.call-start
scs
__scs_entry_jumppad:
0x0: {  	(pc) =	sbr.rel $0x88, $3  }
0x1: {  	(tag) =	ssettag $0x0;
	lr =	simm.s32 $0x1  }
0x2: {  	[smem:$0x3F97] =	sst lr;
	_ =	strace $0xD0000000  }
0x3: {  	_ = 	snop  }
0x4: {  	_ = 	snop  }
0x5: {  	_ = 	snop  }
0x6: {  	_ = 	snop  }
0x7: {  	_ = 	snop  }
__scs_overlays_trampoline_lowered:
0x8: {  	[smem:$0x3FA6] =	sst s0  }
0x9: {  	[smem:$0x3FA7] =	sst s1  }
0xa: {  	[smem:$0x3FA8] =	sst s2  }
0xb: {  	[smem:$0x3FA9] =	sst s3  }
0xc: {  	[smem:$0x3FAA] =	sst s4  }
0xd: {  	[smem:$0x3FAB] =	sst s5  }
0xe: {  	[smem:$0x3FAC] =	sst s6  }
0xf: {  	[smem:$0x3FAD] =	sst s7  }
0x10: {  	[smem:$0x3FAE] =	sst s8  }
0x11: {  	[smem:$0x3FAF] =	sst s9;
	s0 =	simm.s32 @!p0 $0x0  }
0x12: {  	s1 =	sld [smem:$0x3F95];
	s0 =	simm.s32 @p0 $0x1  }
0x13: {  	[smem:$0x3FB0] =	sst s0;
	s0 =	simm.s32 @!p1 $0x0  }
0x14: {  	s2 =	sld [smem:$0x3F94];
	s0 =	simm.s32 @p1 $0x1  }
0x15: {  	[smem:$0x3FB1] =	sst s0;
	s0 =	simm.s32 @!p2 $0x0  }
0x16: {  	s3 =	sld [smem:$0x3FDB];
	s0 =	simm.s32 @p2 $0x1  }
0x17: {  	s4 =	simm.s32 $0x1BF5;
	[smem:$0x3FB3] =	sst s0  }
0x18: {  	s0 =	sld [smem:$0x3F96];
	_ =	swait.ge [sflag:s4], $0x0  }
0x19: {  	s7 =	sld [smem:$0x3F97]  }
0x1a: {  	s8 =	sadd.s32 $0xFFFFE003, lr  }
0x1b: {  	s9 =	sadd.s32 $0xFFFFFEF7, lr;
	s5 =	simm.s32 $0xFFFFFFFF;
	p2 =	slt.u32 s8, $0xFFFFF086  }
0x1c: {  	p1 =	slt.u32 s9, $0xF7A;
	s5 =	simm.s32 @!p2 $0x0  }
0x1d: {  	s5 =	simm.s32 @p1 $0x1;
	p0 =	seq.s32 s7, s2  }
0x1e: {  	s7 =	smul.u32 @!p0 $0xF7A, s2;
	p2 =	seq.s32 @!p0 s5, $0x0  }
0x1f: {  	s9 =	smul.u32 $0xF7A, s1;
	s8 =	simm.s32 @!p0 $0x1BF5;
	p2 =	por !p2, p0  }
0x20: {  	[sflag:s8] =	ssyncset.s32 @!p0 $0xFFFFF086;
	s6 =	sadd.s32 @!p0 s3, s7;
	s7 =	simm.s32 @!p0 $0x108  }
0x21: {  	s3 =	sadd.s32 s3, s9;
	s6 =	sadd.s32 @!p0 $0x88, s6;
	s7 =	simm.s32 @p2 $0x1082  }
0x22: {  	[simem:s7], [sflag:s8] =	dma.local @!p0 [hbm:s6], $0xF7A  }
0x23: {  	s9 =	sor.u32 $0xD0000000, s2;
	s6 =	simm.s32 $0x108;
	_ =	swait.ge @!p0 [sflag:s8], $0x0  }
0x24: {  	s3 =	sadd.s32 $0x88, s3;
	s6 =	simm.s32 @!p1 $0x1082;
	[sflag:s4] =	ssyncset.s32 $0xFFFFF086  }
0x25: {  	[simem:s6], [sflag:s4] =	dma.local [hbm:s3], $0xF7A  }
0x26: {  	[smem:$0x3F97] =	sst s1;
	(tag) =	ssettag s2;
	_ =	strace s9  }
0x27: {  	s1 =	sld [smem:$0x3FA7]  }
0x28: {  	s2 =	sld [smem:$0x3FA8]  }
0x29: {  	s4 =	sld [smem:$0x3FAA]  }
0x2a: {  	p0 =	seq.s32 s5, $0x0;
	s5 =	sld [smem:$0x3FAB]  }
0x2b: {  	s6 =	sld [smem:$0x3FAC]  }
0x2c: {  	s7 =	sld [smem:$0x3FAD]  }
0x2d: {  	s3 =	simm.s32 $0x108;
	s8 =	sld [smem:$0x3FAE]  }
0x2e: {  	s3 =	simm.s32 @!p0 $0x1082;
	s9 =	sld [smem:$0x3FAF]  }
0x2f: {  	lr =	sadd.s32 s0, s3;
	s0 =	sld [smem:$0x3FA6]  }
0x30: {  	s3 =	sld [smem:$0x3FA9]  }
0x31: {  	[smem:$0x3FB2] =	sst s10  }
0x32: {  	s10 =	sld [smem:$0x3FB0];
	_ =	sdelay $0x3  }
0x33: {  	p0 =	seq.s32 s10, $0x1;
	s10 =	sld [smem:$0x3FB2];
	_ =	sdelay $0x3  }
0x34: {  	[smem:$0x3FB2] =	sst s10  }
0x35: {  	s10 =	sld [smem:$0x3FB1];
	_ =	sdelay $0x3  }
0x36: {  	p1 =	seq.s32 s10, $0x1;
	s10 =	sld [smem:$0x3FB2];
	_ =	sdelay $0x3  }
0x37: {  	[smem:$0x3FB2] =	sst s10  }
0x38: {  	s10 =	sld [smem:$0x3FB3]  }
0x39: {  	_ = 	snop;
	(pc) =	sbr.ind lr, $3  }
0x3a: {  	_ = 	snop  }
0x3b: {  	_ = 	snop  }
0x3c: {  	p2 =	seq.s32 s10, $0x1;
	s10 =	sld [smem:$0x3FB2]  }
0x3d: {  	_ =	shalt  }
0x3e: {  	_ =	shalt  }
0x3f: {  	_ =	shalt  }
0x40: {  	_ =	shalt  }
0x41: {  	_ =	shalt  }
0x42: {  	_ =	shalt  }
0x43: {  	_ =	shalt  }
0x44: {  	_ =	shalt  }
0x45: {  	_ =	shalt  }
0x46: {  	_ =	shalt  }
0x47: {  	_ =	shalt  }
0x48: {  	_ =	shalt  }
0x49: {  	_ =	shalt  }
0x4a: {  	_ =	shalt  }
0x4b: {  	_ =	shalt  }
0x4c: {  	_ =	shalt  }
0x4d: {  	_ =	shalt  }
0x4e: {  	_ =	shalt  }
0x4f: {  	_ =	shalt  }
0x50: {  	_ =	shalt  }
0x51: {  	_ =	shalt  }
0x52: {  	_ =	shalt  }
0x53: {  	_ =	shalt  }
0x54: {  	_ =	shalt  }
0x55: {  	_ =	shalt  }
0x56: {  	_ =	shalt  }
0x57: {  	_ =	shalt  }
0x58: {  	_ =	shalt  }
0x59: {  	_ =	shalt  }
0x5a: {  	_ =	shalt  }
0x5b: {  	_ =	shalt  }
0x5c: {  	_ =	shalt  }
0x5d: {  	_ =	shalt  }
0x5e: {  	_ =	shalt  }
0x5f: {  	_ =	shalt  }
0x60: {  	_ =	shalt  }
0x61: {  	_ =	shalt  }
0x62: {  	_ =	shalt  }
0x63: {  	_ =	shalt  }
0x64: {  	_ =	shalt  }
0x65: {  	_ =	shalt  }
0x66: {  	_ =	shalt  }
0x67: {  	_ =	shalt  }
0x68: {  	_ =	shalt  }
0x69: {  	_ =	shalt  }
0x6a: {  	_ =	shalt  }
0x6b: {  	_ =	shalt  }
0x6c: {  	_ =	shalt  }
0x6d: {  	_ =	shalt  }
0x6e: {  	_ =	shalt  }
0x6f: {  	_ =	shalt  }
0x70: {  	_ =	shalt  }
0x71: {  	_ =	shalt  }
0x72: {  	_ =	shalt  }
0x73: {  	_ =	shalt  }
0x74: {  	_ =	shalt  }
0x75: {  	_ =	shalt  }
0x76: {  	_ =	shalt  }
0x77: {  	_ =	shalt  }
0x78: {  	_ =	shalt  }
0x79: {  	_ =	shalt  }
0x7a: {  	_ =	shalt  }
0x7b: {  	_ =	shalt  }
0x7c: {  	_ =	shalt  }
0x7d: {  	_ =	shalt  }
0x7e: {  	_ =	shalt  }
0x7f: {  	_ =	shalt  }
0x80: {  	_ =	shalt  }
0x81: {  	_ =	shalt  }
0x82: {  	_ =	shalt  }
0x83: {  	_ =	shalt  }
0x84: {  	_ =	shalt  }
0x85: {  	_ =	shalt  }
0x86: {  	_ =	shalt  }
0x87: {  	_ =	shalt  }
.Lfunc_end0:
.L_simem_size_0:
called_computation.2_lowered:
.L_overlay_start_0:
0x88: {  	s2 =	sld [smem:$0x3FD9]  }
0x89: {  	s3 =	sld [smem:$0x3FFE];
	_ =	sdelay $0x1  }
0x8a: {  	s1 =	srdreg.scid  }
0x8b: {  	s0 =	sand.u32 $0x1, s1  }
0x8c: {  	s16 =	sshll.u32 s0, $0xA;
	s2 =	sadd.s32 s3, s2  }
0x8d: {  	s2 =	sadd.s32 s2, s16  }
0x8e: {  	[smem:$0x3FBE] =	sst s2  }
0x8f: {  	_ = 	snop  }
0x90: {  	(tm) =	ssettm $0x1  }
0x91: {  	s17 =	sld [smem:$0x3FFB];
	_ =	sdelay $0x3  }
0x92: {  	_ =	strace s17  }
0x93: {  	s2 =	sld [smem:$0x3FFC];
	_ =	sdelay $0x3  }
0x94: {  	_ =	strace s2  }
0x95: {  	s2 =	sld [smem:$0x3FFD];
	_ =	sdelay $0x3  }
0x96: {  	_ =	strace s2  }
0x97: {  	_ =	strace $0x8FFFFFFF  }
0x98: {  	s18 =	sld [smem:$0x3FDB];
	_ =	sdelay $0x1  }
0x99: {  	s19 =	simm.s32 $_scs_section_size  }
0x9a: {  	s4 =	simm.s32 $_size__tile_overlayer_lowered;
	s5 =	simm.s32 $_tile_overlayer_lowered  }
0x9b: {  	s22 =	simm.s32 $0x1BFF;
	s21 =	sshll.u32 s5, $0x1;
	s2 =	sadd.s32 s19, s18  }
0x9c: {  	s6 =	simm.s32 $0x0;
	s20 =	sshll.u32 s4, $0x1;
	s4 =	sadd.s32 s21, s2  }
0x9d: {  	[timem:s6], [sflag:s22] =	dma.local [hbm:s4], s20  }
0x9e: {  	_ =	swait.ge [sflag:s22], s20  }
0x9f: {  	s3 =	ssub.s32 $0x0, s20;
	[sflag:s22] =	ssyncset.done $0x0  }
0xa0: {  	[sflag:s22] =	ssyncadd.s32 s3;
	_ =	sdelay $0x1  }
0xa1: {  	s23 =	simm.s32 $0x1B8B  }
0xa2: {  	_ =	swait.ge [sflag:s23], $0x1  }
0xa3: {  	[sflag:s23] =	ssyncset.done $0x0  }
0xa4: {  	s25 =	simm.s32 $0x1B8E;
	s24 =	sld [smem:$0x3FFE];
	[sflag:s23] =	ssyncadd.s32 $0xFFFFFFFF  }
0xa5: {  	s26 =	simm.s32 $execute0_lowered;
	[smem:$0x3FD2] =	sst s25  }
0xa6: {  	s4 =	sshll.u32 s26, $0x1;
	_ =	strace $0x8000004C;
	[dreg:$0x1] =	wrdreg $0xFFFFFFFF  }
0xa7: {  	s28 =	simm.s32 $_size_execute0_lowered;
	s2 =	sadd.s32 s2, s4;
	[dreg:$0x0] =	wrdreg $0x0  }
0xa8: {  	s4 =	sshll.u32 s28, $0x1;
	[dreg:$0x2] =	wrdreg s2  }
0xa9: {  	[dreg:$0x3] =	wrdreg s4  }
0xaa: {  	[dreg:$0x4] =	wrdreg $0xC0  }
0xab: {  	_ =	task [dreg:s6], $0x5FFFF  }
0xac: {  	[dreg:$0x1] =	wrdreg $0xFFFFFFFF  }
0xad: {  	[dreg:$0x0] =	wrdreg $0x60  }
0xae: {  	[dreg:$0x2] =	wrdreg s24  }
0xaf: {  	[dreg:$0x3] =	wrdreg $0xA8000  }
0xb0: {  	[dreg:$0x4] =	wrdreg $0x9  }
0xb1: {  	_ =	task.clear_ibuf [dreg:s6], $0x5FFFF;
	_ =	strace $0x9000004C  }
0xb2: {  	s29 =	simm.s32 $0x9;
	_ =	strace $0x8000004E  }
0xb3: {  	_ =	swait.ge [sflag:s29], $0x1  }
0xb4: {  	[sflag:s29] =	ssyncadd.s32 $0xFFFFFFFF  }
0xb5: {  	_ =	strace $0x9000004E  }
0xb6: {  	_ =	sfence  }
0xb7: {  	s30 =	sld [smem:$0x0];
	_ =	sdelay $0x2  }
0xb8: {  	s31 =	sshll.u32 s1, $0xD;
	s1 =	sshrl.u32 s1, $0x2  }
0xb9: {  	s3 =	sand.u32 $0x4000, s31;
	s1 =	sadd.s32 s1, s30  }
0xba: {  	s0 =	sor.u32 s3, s0;
	s1 =	sshll.u32 s1, $0x11  }
0xbb: {  	s0 =	sor.u32 s1, s0  }
0xbc: {  	s0 =	sadd.s32 $0x8F2B, s0  }
0xbd: {  	[sflag:s0] =	ssyncadd.remote.s32 $0x1  }
0xbe: {  	_ =	sfence.sel $0xFFFF  }
0xbf: {  	[dreg:$0x0] =	wrdreg $0xFFFFFFFF;
	(pc) =	sbr.abs _section_cstart, $3  }
0xc0: {  	[dreg:$0x1] =	wrdreg $0xFFFFFFFF  }
0xc1: {  	_ =	task.clear_ibuf [dreg:s6], $0x2FFFF;
	_ =	strace $0x9FFFFFFF  }
0xc2: {  	(tm) =	ssettm $0x7FFFFFFF  }
0xc3: {  	_ =	shalt  }
tec
execute0_lowered:
.L_overlay_start_1:
0x0: {  	(tag) =	ssettag $0x1  }
0x1: {  	s5 =	rddreg [dreg:$0x0]  }
0x2: {  	s2 =	rddreg [dreg:$0x1]  }
0x3: {  	s0 =	rddreg [dreg:$0x2];
	s3 =	simm.s32 $0x0;
	s1 =	stileid.u32  }
0x4: {  	s4 =	srdreg.scid;
	s16 =	simm.s32 $0x80;
	s17 =	simm.s32 $0x2800  }
0x5: {  	s18 =	simm.s32 $0x1;
	s19 =	simm.s32 $0x6800;
	s20 =	simm.s32 $0x2  }
0x6: {  	s21 =	simm.s32 $0x3;
	s22 =	simm.s32 $0x100;
	s23 =	simm.s32 $0x1480  }
0x7: {  	s24 =	simm.s32 $0x4;
	s25 =	simm.s32 $0x0;
	[smem:$0x7FF] =	sst s3  }
0x8: {  	s6 =	smul.u32 $0x14000, s1;
	s7 =	sand.u32 $0x1, s4;
	s4 =	sadd.s32 $0x3F800, s5  }
0x9: {  	s10 =	sadd.s32 $0x3800, s5;
	s11 =	sadd.s32 $0xD800, s5;
	s26 =	smul.u32 $0x50000, s1  }
0xa: {  	s12 =	sshll.u32 s1, $0x1;
	s30 =	sshll.u32 s1, $0x6;
	_ =	strace $0x8000004D  }
0xb: {  	s9 =	smul.u32 $0x140000, s7;
	s13 =	ssub.s32 $0x2, s7;
	s7 =	sor.u32 s7, s12  }
0xc: {  	s8 =	sshrl.u32 s6, $0x3;
	s28 =	sshrl.u32 s13, $0x1;
	s7 =	smul.u32 $0x2800, s7  }
0xd: {  	s8 =	sadd.s32 s8, s5;
	s6 =	sadd.s32 s6, s9;
	s9 =	sshrl.u32 s26, $0x2  }
0xe: {  	s12 =	ssub.s32 s13, s28;
	s6 =	sshrl.u32 s6, $0x3;
	s29 =	sadd.s32 s9, s2  }
.Ltmp0:
0xf: {  	s31 =	sshrl.u32 s7, $0x3;
	s12 =	smax.u32 s12, $0x1;
	(pc) =	sbr.rel .LBB2_1-.Ltmp0, $4  }
0x10: {  	s14 =	sadd.s32 s6, s5;
	s5 =	sadd.s32 $0x17800, s8;
	s6 =	sor.u32 $0x1C05, s30  }
0x11: {  	s7 =	sadd.s32 s10, s31;
	s15 =	sadd.s32 $0x280, s31;
	s8 =	sadd.s32 s11, s31  }
0x12: {  	s13 =	sshrl.u32 s29, $0x3;
	s9 =	sadd.s32 s10, s15;
	s10 =	sadd.s32 s11, s15  }
0x13: {  	s11 =	sadd.s32 $0x67800, s14;
	s14 =	simm.s32 $0x5;
	s15 =	simm.s32 $0x1400  }
.LBB2_7:
0x14: {  	[spmem:s2] =	stream.indirect.scatter.add.f32 [tilespmem:s19], [sflag:$0x4], $0x80, s29, s16, $0xb8;
	[tilespmem:$0x1E800] =	vst v63  }
0x15: {  	_ =	swait.ge [sflag:s21], $0x4000  }
0x16: {  	[sflag:s21] =	ssyncset.done $0x0  }
0x17: {  	[sflag:s21] =	ssyncadd.s32 $0xFFFFC000  }
0x18: {  	_ =	swait.ge [sflag:s24], $0x4000  }
0x19: {  	s25 =	sadd.s32 $0x1, s25;
	[sflag:s24] =	ssyncset.done $0x0  }
0x1a: {  	p0 =	sne.s32 s25, s12;
	[sflag:s24] =	ssyncadd.s32 $0xFFFFC000  }
.Ltmp1:
0x1b: {  	[bflag:$0x0] =	sbarrier.arrive $0xFFFF;
	(pc) =	sbr.rel @!p0 .LBB2_8-.Ltmp1, $4  }
0x1c: {  	[hbm:s11], [sflag:s6] =	dma.local [spmem:s13], $0x2800  }
0x1d: {  	_ =	swait.ge [sflag:s14], $0x2800  }
0x1e: {  	[sflag:s14] =	ssyncset.done $0x0  }
0x1f: {  	[sflag:s14] =	ssyncadd.s32 $0xFFFFD800  }
.LBB2_1:
0x20: {  	[spmem:s13], [sflag:s6] =	dma.local [hbm:s5], $0x2800  }
0x21: {  	_ =	swait.ge [sflag:s14], $0x2800  }
0x22: {  	[sflag:s14] =	ssyncset.done $0x0  }
0x23: {  	[sflag:s14] =	ssyncadd.s32 $0xFFFFD800  }
0x24: {  	[bflag:$0x0] =	sbarrier.arrive $0xFFFF  }
0x25: {  	[tilespmem:s3], [sflag:$0x5] =	stream.linear.gather [hbm4b:s7+s3], $0x1400, $0x38;
	[tilespmem:$0x1E800] =	vst v63  }
0x26: {  	_ =	swait.ge [sflag:s14], $0x1400  }
0x27: {  	[sflag:s14] =	ssyncset.done $0x0  }
0x28: {  	[sflag:s14] =	ssyncadd.s32 $0xFFFFEC00  }
0x29: {  	[tilespmem:s15], [sflag:$0x5] =	stream.linear.gather [hbm4b:s8+s3], $0x1400, $0x38;
	[tilespmem:$0x1E800] =	vst v63  }
0x2a: {  	_ =	swait.ge [sflag:s14], $0x1400  }
0x2b: {  	[sflag:s14] =	ssyncset.done $0x0  }
0x2c: {  	[sflag:s14] =	ssyncadd.s32 $0xFFFFEC00  }
0x2d: {  	[tilespmem:s17], [sflag:$0x1] =	stream.indirect.gather [hbm4b:s4+s16], $0x80, s3, s16, $0xb8;
	[tilespmem:$0x1E800] =	vst v63  }
0x2e: {  	_ =	swait.ge [sflag:s18], $0x4000  }
0x2f: {  	[sflag:s18] =	ssyncset.done $0x0  }
0x30: {  	[sflag:s18] =	ssyncadd.s32 $0xFFFFC000  }
0x31: {  	[tilespmem:s19], [sflag:$0x2] =	stream.indirect.gather [hbm4b:s4+s16], $0x80, s16, s16, $0xb8;
	[tilespmem:$0x1E800] =	vst v63  }
0x32: {  	_ = 	snop  }
0x33: {  	[spmem:s2] =	stream.indirect.scatter.add.f32 [tilespmem:s17], [sflag:$0x3], $0x80, s15, s16, $0xb8;
	[tilespmem:$0x1E800] =	vst v63  }
0x34: {  	_ =	swait.ge [sflag:s20], $0x4000  }
0x35: {  	[sflag:s20] =	ssyncset.done $0x0  }
0x36: {  	[sflag:s20] =	ssyncadd.s32 $0xFFFFC000  }
0x37: {  	_ =	swait.ge [sflag:s21], $0x4000  }
0x38: {  	[sflag:s21] =	ssyncset.done $0x0  }
0x39: {  	[sflag:s21] =	ssyncadd.s32 $0xFFFFC000  }
0x3a: {  	[tilespmem:s17], [sflag:$0x1] =	stream.indirect.gather [hbm4b:s4+s16], $0x80, s22, s16, $0xb8;
	[tilespmem:$0x1E800] =	vst v63  }
0x3b: {  	s26 =	simm.s32 $0xFFFFB800  }
0x3c: {  	[spmem:s2] =	stream.indirect.scatter.add.f32 [tilespmem:s19], [sflag:$0x4], $0x80, s23, s16, $0xb8;
	[tilespmem:$0x1E800] =	vst v63  }
.LBB2_2:
0x3d: {  	_ =	swait.ge [sflag:s18], $0x4000  }
0x3e: {  	[sflag:s18] =	ssyncset.done $0x0  }
0x3f: {  	[sflag:s18] =	ssyncadd.s32 $0xFFFFC000  }
0x40: {  	_ =	swait.ge [sflag:s24], $0x4000  }
0x41: {  	s28 =	sshra.s32 s26, $0x2;
	[sflag:s24] =	ssyncset.done $0x0  }
0x42: {  	p0 =	seq.s32 s26, $0x0;
	s29 =	sadd.s32 $0x1380, s28;
	[sflag:s24] =	ssyncadd.s32 $0xFFFFC000  }
0x43: {  	[tilespmem:s19], [sflag:$0x2] =	stream.indirect.gather [hbm4b:s4+s16], $0x80, s29, s16, $0xb8;
	[tilespmem:$0x1E800] =	vst v63  }
.Ltmp2:
0x44: {  	s29 =	sadd.s32 $0x2700, s28;
	(pc) =	sbr.rel @p0 .LBB2_4-.Ltmp2, $4  }
0x45: {  	[spmem:s2] =	stream.indirect.scatter.add.f32 [tilespmem:s17], [sflag:$0x3], $0x80, s29, s16, $0xb8;
	[tilespmem:$0x1E800] =	vst v63  }
0x46: {  	_ =	swait.ge [sflag:s20], $0x4000  }
0x47: {  	[sflag:s20] =	ssyncset.done $0x0  }
0x48: {  	s29 =	sadd.s32 $0x2780, s28;
	[sflag:s20] =	ssyncadd.s32 $0xFFFFC000  }
0x49: {  	_ =	swait.ge [sflag:s21], $0x4000  }
.Ltmp3:
0x4a: {  	[sflag:s21] =	ssyncset.done $0x0;
	(pc) =	sbr.rel .LBB2_2-.Ltmp3, $4  }
0x4b: {  	s28 =	sadd.s32 $0x1400, s28;
	[sflag:s21] =	ssyncadd.s32 $0xFFFFC000  }
0x4c: {  	[tilespmem:s17], [sflag:$0x1] =	stream.indirect.gather [hbm4b:s4+s16], $0x80, s28, s16, $0xb8;
	[tilespmem:$0x1E800] =	vst v63  }
0x4d: {  	s26 =	sadd.s32 $0x400, s26  }
0x4e: {  	[spmem:s2] =	stream.indirect.scatter.add.f32 [tilespmem:s19], [sflag:$0x4], $0x80, s29, s16, $0xb8;
	[tilespmem:$0x1E800] =	vst v63  }
.LBB2_4:
0x4f: {  	[spmem:s2] =	stream.indirect.scatter.add.f32 [tilespmem:s19], [sflag:$0x4], $0x80, s29, s16, $0xb8;
	[tilespmem:$0x1E800] =	vst v63  }
0x50: {  	_ =	swait.ge [sflag:s21], $0x4000  }
0x51: {  	[sflag:s21] =	ssyncset.done $0x0  }
0x52: {  	[sflag:s21] =	ssyncadd.s32 $0xFFFFC000  }
0x53: {  	_ =	swait.ge [sflag:s24], $0x4000  }
0x54: {  	[sflag:s24] =	ssyncset.done $0x0  }
0x55: {  	[sflag:s24] =	ssyncadd.s32 $0xFFFFC000  }
0x56: {  	[tilespmem:s3], [sflag:$0x5] =	stream.linear.gather [hbm4b:s9+s3], $0x1400, $0x38;
	[tilespmem:$0x1E800] =	vst v63  }
0x57: {  	_ =	swait.ge [sflag:s14], $0x1400  }
0x58: {  	[sflag:s14] =	ssyncset.done $0x0  }
0x59: {  	[sflag:s14] =	ssyncadd.s32 $0xFFFFEC00  }
0x5a: {  	[tilespmem:s15], [sflag:$0x5] =	stream.linear.gather [hbm4b:s10+s3], $0x1400, $0x38;
	[tilespmem:$0x1E800] =	vst v63  }
0x5b: {  	_ =	swait.ge [sflag:s14], $0x1400  }
0x5c: {  	[sflag:s14] =	ssyncset.done $0x0  }
0x5d: {  	[sflag:s14] =	ssyncadd.s32 $0xFFFFEC00  }
0x5e: {  	[tilespmem:s17], [sflag:$0x1] =	stream.indirect.gather [hbm4b:s4+s16], $0x80, s3, s16, $0xb8;
	[tilespmem:$0x1E800] =	vst v63  }
0x5f: {  	_ =	swait.ge [sflag:s18], $0x4000  }
0x60: {  	[sflag:s18] =	ssyncset.done $0x0  }
0x61: {  	[sflag:s18] =	ssyncadd.s32 $0xFFFFC000  }
0x62: {  	[tilespmem:s19], [sflag:$0x2] =	stream.indirect.gather [hbm4b:s4+s16], $0x80, s16, s16, $0xb8;
	[tilespmem:$0x1E800] =	vst v63  }
0x63: {  	_ = 	snop  }
0x64: {  	[spmem:s2] =	stream.indirect.scatter.add.f32 [tilespmem:s17], [sflag:$0x3], $0x80, s15, s16, $0xb8;
	[tilespmem:$0x1E800] =	vst v63  }
0x65: {  	_ =	swait.ge [sflag:s20], $0x4000  }
0x66: {  	[sflag:s20] =	ssyncset.done $0x0  }
0x67: {  	[sflag:s20] =	ssyncadd.s32 $0xFFFFC000  }
0x68: {  	_ =	swait.ge [sflag:s21], $0x4000  }
0x69: {  	[sflag:s21] =	ssyncset.done $0x0  }
0x6a: {  	[sflag:s21] =	ssyncadd.s32 $0xFFFFC000  }
0x6b: {  	[tilespmem:s17], [sflag:$0x1] =	stream.indirect.gather [hbm4b:s4+s16], $0x80, s22, s16, $0xb8;
	[tilespmem:$0x1E800] =	vst v63  }
0x6c: {  	s26 =	simm.s32 $0xFFFFB800  }
0x6d: {  	[spmem:s2] =	stream.indirect.scatter.add.f32 [tilespmem:s19], [sflag:$0x4], $0x80, s23, s16, $0xb8;
	[tilespmem:$0x1E800] =	vst v63  }
.LBB2_5:
0x6e: {  	_ =	swait.ge [sflag:s18], $0x4000  }
0x6f: {  	[sflag:s18] =	ssyncset.done $0x0  }
0x70: {  	[sflag:s18] =	ssyncadd.s32 $0xFFFFC000  }
0x71: {  	_ =	swait.ge [sflag:s24], $0x4000  }
0x72: {  	s28 =	sshra.s32 s26, $0x2;
	[sflag:s24] =	ssyncset.done $0x0  }
0x73: {  	p0 =	seq.s32 s26, $0x0;
	s29 =	sadd.s32 $0x1380, s28;
	[sflag:s24] =	ssyncadd.s32 $0xFFFFC000  }
0x74: {  	[tilespmem:s19], [sflag:$0x2] =	stream.indirect.gather [hbm4b:s4+s16], $0x80, s29, s16, $0xb8;
	[tilespmem:$0x1E800] =	vst v63  }
.Ltmp4:
0x75: {  	s29 =	sadd.s32 $0x2700, s28;
	(pc) =	sbr.rel @p0 .LBB2_7-.Ltmp4, $4  }
0x76: {  	[spmem:s2] =	stream.indirect.scatter.add.f32 [tilespmem:s17], [sflag:$0x3], $0x80, s29, s16, $0xb8;
	[tilespmem:$0x1E800] =	vst v63  }
0x77: {  	_ =	swait.ge [sflag:s20], $0x4000  }
0x78: {  	[sflag:s20] =	ssyncset.done $0x0  }
0x79: {  	s29 =	sadd.s32 $0x2780, s28;
	[sflag:s20] =	ssyncadd.s32 $0xFFFFC000  }
0x7a: {  	_ =	swait.ge [sflag:s21], $0x4000  }
.Ltmp5:
0x7b: {  	[sflag:s21] =	ssyncset.done $0x0;
	(pc) =	sbr.rel .LBB2_5-.Ltmp5, $4  }
0x7c: {  	s28 =	sadd.s32 $0x1400, s28;
	[sflag:s21] =	ssyncadd.s32 $0xFFFFC000  }
0x7d: {  	[tilespmem:s17], [sflag:$0x1] =	stream.indirect.gather [hbm4b:s4+s16], $0x80, s28, s16, $0xb8;
	[tilespmem:$0x1E800] =	vst v63  }
0x7e: {  	s26 =	sadd.s32 $0x400, s26  }
0x7f: {  	[spmem:s2] =	stream.indirect.scatter.add.f32 [tilespmem:s19], [sflag:$0x4], $0x80, s29, s16, $0xb8;
	[tilespmem:$0x1E800] =	vst v63  }
.LBB2_8:
0x80: {  	_ =	sfence.sel $0x180000  }
0x81: {  	[bflag:$0x0] =	sbarrier.arrive $0xFFFF  }
0x82: {  	p0 =	sne.s32 s1, $0x0;
	_ =	strace $0x9000004D  }
0x83: {  	s0 =	sadd.s32 @!p0 $0x100000, s0;
	[bflag:$0x2] =	sbarrier.arrive $0xFFFF  }
0x84: {  	[sflag:s0] =	ssyncadd.tile.s32 @!p0 $0x1;
	_ =	shalt  }
.Lfunc_end2:
_tile_overlayer_lowered:
.L_overlay_start_2:
0x85: {  	(tag) =	ssettag $0x2  }
0x86: {  	s0 =	rddreg [dreg:$0x0];
	s2 =	stileid.u32  }
0x87: {  	s1 =	rddreg [dreg:$0x1];
	p0 =	sne.s32 s2, $0x0  }
0x88: {  	s3 =	rddreg [dreg:$0x2];
	[bflag:$0x3] =	sbarrier.arrive $0xFFFF;
	s2 =	simm.s32 @!p0 $0x1C05  }
0x89: {  	[timem:s3], [sflag:s2] =	dma.local @!p0 [hbm:s0], s1  }
0x8a: {  	s0 =	simm.s32 @!p0 $0x5  }
0x8b: {  	_ =	swait.ge @!p0 [sflag:s0], s1  }
0x8c: {  	s1 =	ssub.s32 @!p0 $0x0, s1;
	[sflag:s0] =	ssyncset.done @!p0 $0x0  }
0x8d: {  	[sflag:s0] =	ssyncadd.s32 @!p0 s1  }
0x8e: {  	[bflag:$0x3] =	sbarrier.arrive $0xFFFF  }
0x8f: {  	_ =	shalt  }

// kernel: kernel.8.cloned.1.call-start
scs
__scs_entry_jumppad:
0x0: {  	(pc) =	sbr.rel $0x88, $3  }
0x1: {  	(tag) =	ssettag $0x0;
	lr =	simm.s32 $0x1  }
0x2: {  	[smem:$0x3F97] =	sst lr;
	_ =	strace $0xD0000000  }
0x3: {  	_ = 	snop  }
0x4: {  	_ = 	snop  }
0x5: {  	_ = 	snop  }
0x6: {  	_ = 	snop  }
0x7: {  	_ = 	snop  }
__scs_overlays_trampoline_lowered:
0x8: {  	[smem:$0x3FA6] =	sst s0  }
0x9: {  	[smem:$0x3FA7] =	sst s1  }
0xa: {  	[smem:$0x3FA8] =	sst s2  }
0xb: {  	[smem:$0x3FA9] =	sst s3  }
0xc: {  	[smem:$0x3FAA] =	sst s4  }
0xd: {  	[smem:$0x3FAB] =	sst s5  }
0xe: {  	[smem:$0x3FAC] =	sst s6  }
0xf: {  	[smem:$0x3FAD] =	sst s7  }
0x10: {  	[smem:$0x3FAE] =	sst s8  }
0x11: {  	[smem:$0x3FAF] =	sst s9;
	s0 =	simm.s32 @!p0 $0x0  }
0x12: {  	s1 =	sld [smem:$0x3F95];
	s0 =	simm.s32 @p0 $0x1  }
0x13: {  	[smem:$0x3FB0] =	sst s0;
	s0 =	simm.s32 @!p1 $0x0  }
0x14: {  	s2 =	sld [smem:$0x3F94];
	s0 =	simm.s32 @p1 $0x1  }
0x15: {  	[smem:$0x3FB1] =	sst s0;
	s0 =	simm.s32 @!p2 $0x0  }
0x16: {  	s3 =	sld [smem:$0x3FDB];
	s0 =	simm.s32 @p2 $0x1  }
0x17: {  	s4 =	simm.s32 $0x1BF5;
	[smem:$0x3FB3] =	sst s0  }
0x18: {  	s0 =	sld [smem:$0x3F96];
	_ =	swait.ge [sflag:s4], $0x0  }
0x19: {  	s7 =	sld [smem:$0x3F97]  }
0x1a: {  	s8 =	sadd.s32 $0xFFFFE003, lr  }
0x1b: {  	s9 =	sadd.s32 $0xFFFFFEF7, lr;
	s5 =	simm.s32 $0xFFFFFFFF;
	p2 =	slt.u32 s8, $0xFFFFF086  }
0x1c: {  	p1 =	slt.u32 s9, $0xF7A;
	s5 =	simm.s32 @!p2 $0x0  }
0x1d: {  	s5 =	simm.s32 @p1 $0x1;
	p0 =	seq.s32 s7, s2  }
0x1e: {  	s7 =	smul.u32 @!p0 $0xF7A, s2;
	p2 =	seq.s32 @!p0 s5, $0x0  }
0x1f: {  	s9 =	smul.u32 $0xF7A, s1;
	s8 =	simm.s32 @!p0 $0x1BF5;
	p2 =	por !p2, p0  }
0x20: {  	[sflag:s8] =	ssyncset.s32 @!p0 $0xFFFFF086;
	s6 =	sadd.s32 @!p0 s3, s7;
	s7 =	simm.s32 @!p0 $0x108  }
0x21: {  	s3 =	sadd.s32 s3, s9;
	s6 =	sadd.s32 @!p0 $0x88, s6;
	s7 =	simm.s32 @p2 $0x1082  }
0x22: {  	[simem:s7], [sflag:s8] =	dma.local @!p0 [hbm:s6], $0xF7A  }
0x23: {  	s9 =	sor.u32 $0xD0000000, s2;
	s6 =	simm.s32 $0x108;
	_ =	swait.ge @!p0 [sflag:s8], $0x0  }
0x24: {  	s3 =	sadd.s32 $0x88, s3;
	s6 =	simm.s32 @!p1 $0x1082;
	[sflag:s4] =	ssyncset.s32 $0xFFFFF086  }
0x25: {  	[simem:s6], [sflag:s4] =	dma.local [hbm:s3], $0xF7A  }
0x26: {  	[smem:$0x3F97] =	sst s1;
	(tag) =	ssettag s2;
	_ =	strace s9  }
0x27: {  	s1 =	sld [smem:$0x3FA7]  }
0x28: {  	s2 =	sld [smem:$0x3FA8]  }
0x29: {  	s4 =	sld [smem:$0x3FAA]  }
0x2a: {  	p0 =	seq.s32 s5, $0x0;
	s5 =	sld [smem:$0x3FAB]  }
0x2b: {  	s6 =	sld [smem:$0x3FAC]  }
0x2c: {  	s7 =	sld [smem:$0x3FAD]  }
0x2d: {  	s3 =	simm.s32 $0x108;
	s8 =	sld [smem:$0x3FAE]  }
0x2e: {  	s3 =	simm.s32 @!p0 $0x1082;
	s9 =	sld [smem:$0x3FAF]  }
0x2f: {  	lr =	sadd.s32 s0, s3;
	s0 =	sld [smem:$0x3FA6]  }
0x30: {  	s3 =	sld [smem:$0x3FA9]  }
0x31: {  	[smem:$0x3FB2] =	sst s10  }
0x32: {  	s10 =	sld [smem:$0x3FB0];
	_ =	sdelay $0x3  }
0x33: {  	p0 =	seq.s32 s10, $0x1;
	s10 =	sld [smem:$0x3FB2];
	_ =	sdelay $0x3  }
0x34: {  	[smem:$0x3FB2] =	sst s10  }
0x35: {  	s10 =	sld [smem:$0x3FB1];
	_ =	sdelay $0x3  }
0x36: {  	p1 =	seq.s32 s10, $0x1;
	s10 =	sld [smem:$0x3FB2];
	_ =	sdelay $0x3  }
0x37: {  	[smem:$0x3FB2] =	sst s10  }
0x38: {  	s10 =	sld [smem:$0x3FB3]  }
0x39: {  	_ = 	snop;
	(pc) =	sbr.ind lr, $3  }
0x3a: {  	_ = 	snop  }
0x3b: {  	_ = 	snop  }
0x3c: {  	p2 =	seq.s32 s10, $0x1;
	s10 =	sld [smem:$0x3FB2]  }
0x3d: {  	_ =	shalt  }
0x3e: {  	_ =	shalt  }
0x3f: {  	_ =	shalt  }
0x40: {  	_ =	shalt  }
0x41: {  	_ =	shalt  }
0x42: {  	_ =	shalt  }
0x43: {  	_ =	shalt  }
0x44: {  	_ =	shalt  }
0x45: {  	_ =	shalt  }
0x46: {  	_ =	shalt  }
0x47: {  	_ =	shalt  }
0x48: {  	_ =	shalt  }
0x49: {  	_ =	shalt  }
0x4a: {  	_ =	shalt  }
0x4b: {  	_ =	shalt  }
0x4c: {  	_ =	shalt  }
0x4d: {  	_ =	shalt  }
0x4e: {  	_ =	shalt  }
0x4f: {  	_ =	shalt  }
0x50: {  	_ =	shalt  }
0x51: {  	_ =	shalt  }
0x52: {  	_ =	shalt  }
0x53: {  	_ =	shalt  }
0x54: {  	_ =	shalt  }
0x55: {  	_ =	shalt  }
0x56: {  	_ =	shalt  }
0x57: {  	_ =	shalt  }
0x58: {  	_ =	shalt  }
0x59: {  	_ =	shalt  }
0x5a: {  	_ =	shalt  }
0x5b: {  	_ =	shalt  }
0x5c: {  	_ =	shalt  }
0x5d: {  	_ =	shalt  }
0x5e: {  	_ =	shalt  }
0x5f: {  	_ =	shalt  }
0x60: {  	_ =	shalt  }
0x61: {  	_ =	shalt  }
0x62: {  	_ =	shalt  }
0x63: {  	_ =	shalt  }
0x64: {  	_ =	shalt  }
0x65: {  	_ =	shalt  }
0x66: {  	_ =	shalt  }
0x67: {  	_ =	shalt  }
0x68: {  	_ =	shalt  }
0x69: {  	_ =	shalt  }
0x6a: {  	_ =	shalt  }
0x6b: {  	_ =	shalt  }
0x6c: {  	_ =	shalt  }
0x6d: {  	_ =	shalt  }
0x6e: {  	_ =	shalt  }
0x6f: {  	_ =	shalt  }
0x70: {  	_ =	shalt  }
0x71: {  	_ =	shalt  }
0x72: {  	_ =	shalt  }
0x73: {  	_ =	shalt  }
0x74: {  	_ =	shalt  }
0x75: {  	_ =	shalt  }
0x76: {  	_ =	shalt  }
0x77: {  	_ =	shalt  }
0x78: {  	_ =	shalt  }
0x79: {  	_ =	shalt  }
0x7a: {  	_ =	shalt  }
0x7b: {  	_ =	shalt  }
0x7c: {  	_ =	shalt  }
0x7d: {  	_ =	shalt  }
0x7e: {  	_ =	shalt  }
0x7f: {  	_ =	shalt  }
0x80: {  	_ =	shalt  }
0x81: {  	_ =	shalt  }
0x82: {  	_ =	shalt  }
0x83: {  	_ =	shalt  }
0x84: {  	_ =	shalt  }
0x85: {  	_ =	shalt  }
0x86: {  	_ =	shalt  }
0x87: {  	_ =	shalt  }
.Lfunc_end0:
.L_simem_size_0:
called_computation_lowered:
.L_overlay_start_0:
0x88: {  	s2 =	sld [smem:$0x3FD9]  }
0x89: {  	s3 =	sld [smem:$0x3FFE];
	_ =	sdelay $0x1  }
0x8a: {  	s1 =	srdreg.scid  }
0x8b: {  	s0 =	sand.u32 $0x1, s1  }
0x8c: {  	s17 =	sshll.u32 s0, $0xA;
	s2 =	sadd.s32 s3, s2  }
0x8d: {  	s2 =	sadd.s32 s2, s17  }
0x8e: {  	[smem:$0x3FBE] =	sst s2  }
0x8f: {  	_ = 	snop  }
0x90: {  	s2 =	sld [smem:$0x3FC6];
	(tm) =	ssettm $0x1  }
0x91: {  	s18 =	sld [smem:$0x3FFB];
	_ =	sdelay $0x3  }
0x92: {  	_ =	strace s18  }
0x93: {  	s3 =	sld [smem:$0x3FFC];
	_ =	sdelay $0x3  }
0x94: {  	_ =	strace s3  }
0x95: {  	s3 =	sld [smem:$0x3FFD];
	_ =	sdelay $0x3  }
0x96: {  	_ =	strace s3  }
0x97: {  	_ =	strace $0x8FFFFFFF  }
0x98: {  	s19 =	sld [smem:$0x3FDB];
	_ =	sdelay $0x1  }
0x99: {  	s4 =	simm.s32 $_scs_section_size  }
0x9a: {  	s5 =	simm.s32 $_size__tile_overlayer_lowered;
	s6 =	simm.s32 $_tile_overlayer_lowered  }
0x9b: {  	s22 =	simm.s32 $0x1BFF;
	s21 =	sshll.u32 s6, $0x1;
	s3 =	sadd.s32 s4, s19  }
0x9c: {  	s7 =	simm.s32 $0x0;
	s20 =	sshll.u32 s5, $0x1;
	s5 =	sadd.s32 s21, s3  }
0x9d: {  	[timem:s7], [sflag:s22] =	dma.local [hbm:s5], s20  }
0x9e: {  	_ =	swait.ge [sflag:s22], s20  }
0x9f: {  	s4 =	ssub.s32 $0x0, s20;
	[sflag:s22] =	ssyncset.done $0x0  }
0xa0: {  	[sflag:s22] =	ssyncadd.s32 s4;
	_ =	sdelay $0x1  }
0xa1: {  	s23 =	simm.s32 $0x1B8B  }
0xa2: {  	_ =	swait.ge [sflag:s23], $0x1  }
0xa3: {  	[sflag:s23] =	ssyncset.done $0x0  }
0xa4: {  	s25 =	simm.s32 $0x1B8E;
	s24 =	sld [smem:$0x3FFE];
	[sflag:s23] =	ssyncadd.s32 $0xFFFFFFFF  }
0xa5: {  	s26 =	simm.s32 $execute0_lowered;
	[smem:$0x3FD2] =	sst s25  }
0xa6: {  	s5 =	sshll.u32 s26, $0x1;
	_ =	strace $0x80000046;
	[dreg:$0x1] =	wrdreg $0xFFFFFFFF  }
0xa7: {  	s28 =	simm.s32 $_size_execute0_lowered;
	s3 =	sadd.s32 s3, s5;
	[dreg:$0x0] =	wrdreg $0x0  }
0xa8: {  	s5 =	sshll.u32 s28, $0x1;
	[dreg:$0x2] =	wrdreg s3  }
0xa9: {  	[dreg:$0x3] =	wrdreg s5  }
0xaa: {  	[dreg:$0x4] =	wrdreg $0xC0  }
0xab: {  	_ =	task [dreg:s7], $0x5FFFF  }
0xac: {  	[dreg:$0x1] =	wrdreg $0xFFFFFFFF  }
0xad: {  	[dreg:$0x0] =	wrdreg $0x60  }
0xae: {  	[dreg:$0x2] =	wrdreg s2  }
0xaf: {  	[dreg:$0x3] =	wrdreg s24  }
0xb0: {  	[dreg:$0x4] =	wrdreg $0x90800  }
0xb1: {  	[dreg:$0x5] =	wrdreg $0x9  }
0xb2: {  	_ =	task.clear_ibuf [dreg:s7], $0x6FFFF;
	_ =	strace $0x90000046  }
0xb3: {  	s29 =	simm.s32 $0x9;
	_ =	strace $0x80000048  }
0xb4: {  	_ =	swait.ge [sflag:s29], $0x1  }
0xb5: {  	[sflag:s29] =	ssyncadd.s32 $0xFFFFFFFF  }
0xb6: {  	_ =	strace $0x90000048  }
0xb7: {  	_ =	sfence  }
0xb8: {  	s30 =	sld [smem:$0x0];
	_ =	sdelay $0x2  }
0xb9: {  	s31 =	sshll.u32 s1, $0xD;
	s1 =	sshrl.u32 s1, $0x2  }
0xba: {  	s3 =	sand.u32 $0x4000, s31;
	s1 =	sadd.s32 s1, s30  }
0xbb: {  	s0 =	sor.u32 s3, s0;
	s1 =	sshll.u32 s1, $0x11  }
0xbc: {  	s0 =	sor.u32 s1, s0  }
0xbd: {  	s0 =	sadd.s32 $0x8F2B, s0  }
0xbe: {  	[sflag:s0] =	ssyncadd.remote.s32 $0x1  }
0xbf: {  	_ =	sfence.sel $0xFFFF  }
0xc0: {  	[dreg:$0x0] =	wrdreg $0xFFFFFFFF;
	(pc) =	sbr.abs _section_cstart, $3  }
0xc1: {  	[dreg:$0x1] =	wrdreg $0xFFFFFFFF  }
0xc2: {  	_ =	task.clear_ibuf [dreg:s7], $0x2FFFF;
	_ =	strace $0x9FFFFFFF  }
0xc3: {  	(tm) =	ssettm $0x7FFFFFFF  }
tec
execute0_lowered:
.L_overlay_start_1:
0x0: {  	(tag) =	ssettag $0x1  }
0x1: {  	s1 =	rddreg [dreg:$0x0]  }
0x2: {  	s0 =	stileid.u32;
	s6 =	rddreg [dreg:$0x1]  }
0x3: {  	s2 =	srdreg.scid;
	s3 =	rddreg [dreg:$0x2]  }
0x4: {  	s28 =	simm.s32 $0x0;
	s2 =	sand.u32 $0x1, s2;
	s4 =	sshll.u32 s0, $0x1  }
0x5: {  	s7 =	smul.u32 $0x14000, s0;
	s17 =	sadd.s32 $0x3200, s6;
	s20 =	sadd.s32 $0x3F800, s6  }
0x6: {  	s21 =	smul.u32 $0x50000, s0;
	s18 =	sadd.s32 $0x90000, s6;
	s10 =	sor.u32 s2, s4  }
0x7: {  	s4 =	simm.s32 $0x0;
	s9 =	smul.u32 $0x140000, s2;
	s2 =	ssub.s32 $0x2, s2  }
0x8: {  	s8 =	smul.u32 $0x500, s10;
	[smem:$0x7FF] =	sst s4;
	s5 =	sshrl.u32 s7, $0x3  }
0x9: {  	s22 =	sshrl.u32 s2, $0x1;
	s23 =	sshrl.u32 s21, $0x2;
	s16 =	smul.u32 $0x140, s10  }
0xa: {  	s25 =	smul.u32 $0x1400, s10;
	s21 =	simm.s32 $0x50;
	_ =	strace $0x80000047  }
0xb: {  	s11 =	sadd.s32 s5, s6;
	[dreg:$0x4] =	wrdreg s20;
	s7 =	sadd.s32 s7, s9  }
0xc: {  	s2 =	ssub.s32 s2, s22;
	s20 =	simm.s32 $0x4;
	s22 =	simm.s32 $0x80  }
0xd: {  	s8 =	sadd.s32 s8, s6;
	s7 =	sshrl.u32 s7, $0x3;
	s24 =	sshrl.u32 s16, $0x3  }
0xe: {  	s10 =	smax.u32 s2, $0x1;
	s26 =	sadd.s32 $0x50, s16;
	s19 =	sadd.s32 $0xA0, s16  }
0xf: {  	s29 =	sadd.s32 $0xF0, s16;
	s12 =	sadd.s32 s7, s6;
	s6 =	sadd.s32 s23, s3  }
0x10: {  	s7 =	sadd.s32 $0x17800, s11;
	s8 =	sadd.s32 $0xD800, s8;
	s11 =	sadd.s32 s17, s24  }
0x11: {  	s13 =	sshrl.u32 s26, $0x3;
	s2 =	sshll.u32 s26, $0x4;
	s15 =	sshrl.u32 s19, $0x3  }
0x12: {  	s30 =	sshll.u32 s19, $0x4;
	s31 =	sshrl.u32 s29, $0x3;
	s19 =	simm.s32 $0x5080  }
0x13: {  	s23 =	simm.s32 $0x1;
	s26 =	simm.s32 $0x3;
	s9 =	sadd.s32 $0x40000, s12  }
0x14: {  	s12 =	sadd.s32 s18, s25;
	s13 =	sadd.s32 s17, s13;
	s14 =	sadd.s32 s18, s2  }
0x15: {  	s15 =	sadd.s32 s17, s15;
	s2 =	sshll.u32 s29, $0x4;
	s16 =	sadd.s32 s18, s30  }
0x16: {  	s17 =	sadd.s32 s17, s31;
	s25 =	simm.s32 $0x2;
	s18 =	sadd.s32 s18, s2  }
.LBB2_1:
0x17: {  	s0 =	rddreg [dreg:$0x4]  }
0x18: {  	[tilespmem:s19], [sflag:$0x4] =	stream.linear.gather [hbm4b:s0+s4], $0x4000, $0x38;
	[tilespmem:$0x1D080] =	vst v63  }
0x19: {  	s24 =	stileid.u32;
	_ =	swait.ge [sflag:s20], $0x4000  }
0x1a: {  	s2 =	sshll.u32 s24, $0x6;
	[sflag:s20] =	ssyncset.done $0x0  }
0x1b: {  	s30 =	sshrl.u32 s6, $0x3;
	s29 =	sor.u32 $0x1C04, s2;
	[sflag:s20] =	ssyncadd.s32 $0xFFFFC000  }
0x1c: {  	[spmem:s30], [sflag:s29] =	dma.local [hbm:s7], $0x2800  }
0x1d: {  	_ =	swait.ge [sflag:s20], $0x2800  }
0x1e: {  	[sflag:s20] =	ssyncset.done $0x0  }
0x1f: {  	[sflag:s20] =	ssyncadd.s32 $0xFFFFD800  }
0x20: {  	[bflag:$0x0] =	sbarrier.arrive $0xFFFF  }
0x21: {  	[tilespmem:s4], [sflag:$0x4] =	stream.linear.gather [hbm4b:s11+s4], $0x50, $0x38;
	[tilespmem:$0x1D080] =	vst v63  }
0x22: {  	_ =	swait.ge [sflag:s20], $0x50  }
0x23: {  	[sflag:s20] =	ssyncset.done $0x0  }
0x24: {  	[sflag:s20] =	ssyncadd.s32 $0xFFFFFFB0  }
0x25: {  	[tilespmem:s22], [sflag:$0x1] =	stream.indirect.gather [hbm4b:s1+s21], $0x80, s4, s21, $0xb8;
	[tilespmem:$0x1D080] =	vst v63  }
0x26: {  	_ =	swait.ge [sflag:s23], $0x2800  }
0x27: {  	[sflag:s23] =	ssyncset.done $0x0  }
0x28: {  	[sflag:s23] =	ssyncadd.s32 $0xFFFFD800  }
0x29: {  	[hbm4b:s12+s4] =	stream.linear.scatter [tilespmem:s22], [sflag:$0x4], $0x2800, $0x38;
	[tilespmem:$0x1D080] =	vst v63  }
0x2a: {  	_ =	swait.ge [sflag:s20], $0x2800  }
0x2b: {  	[sflag:s20] =	ssyncset.done $0x0  }
0x2c: {  	[sflag:s20] =	ssyncadd.s32 $0xFFFFD800  }
0x2d: {  	[tilespmem:s4], [sflag:$0x4] =	stream.linear.gather [hbm4b:s13+s4], $0x50, $0x38;
	[tilespmem:$0x1D080] =	vst v63  }
0x2e: {  	_ =	swait.ge [sflag:s20], $0x50  }
0x2f: {  	[sflag:s20] =	ssyncset.done $0x0  }
0x30: {  	[sflag:s20] =	ssyncadd.s32 $0xFFFFFFB0  }
0x31: {  	[tilespmem:s22], [sflag:$0x1] =	stream.indirect.gather [hbm4b:s1+s21], $0x80, s4, s21, $0xb8;
	[tilespmem:$0x1D080] =	vst v63  }
0x32: {  	_ =	swait.ge [sflag:s23], $0x2800  }
0x33: {  	[sflag:s23] =	ssyncset.done $0x0  }
0x34: {  	[sflag:s23] =	ssyncadd.s32 $0xFFFFD800  }
0x35: {  	[hbm4b:s14+s4] =	stream.linear.scatter [tilespmem:s22], [sflag:$0x4], $0x2800, $0x38;
	[tilespmem:$0x1D080] =	vst v63  }
0x36: {  	_ =	swait.ge [sflag:s20], $0x2800  }
0x37: {  	[sflag:s20] =	ssyncset.done $0x0  }
0x38: {  	[sflag:s20] =	ssyncadd.s32 $0xFFFFD800  }
0x39: {  	[tilespmem:s4], [sflag:$0x4] =	stream.linear.gather [hbm4b:s15+s4], $0x50, $0x38;
	[tilespmem:$0x1D080] =	vst v63  }
0x3a: {  	_ =	swait.ge [sflag:s20], $0x50  }
0x3b: {  	[sflag:s20] =	ssyncset.done $0x0  }
0x3c: {  	[sflag:s20] =	ssyncadd.s32 $0xFFFFFFB0  }
0x3d: {  	[tilespmem:s22], [sflag:$0x1] =	stream.indirect.gather [hbm4b:s1+s21], $0x80, s4, s21, $0xb8;
	[tilespmem:$0x1D080] =	vst v63  }
0x3e: {  	_ =	swait.ge [sflag:s23], $0x2800  }
0x3f: {  	[sflag:s23] =	ssyncset.done $0x0  }
0x40: {  	[sflag:s23] =	ssyncadd.s32 $0xFFFFD800  }
0x41: {  	[hbm4b:s16+s4] =	stream.linear.scatter [tilespmem:s22], [sflag:$0x4], $0x2800, $0x38;
	[tilespmem:$0x1D080] =	vst v63  }
0x42: {  	_ =	swait.ge [sflag:s20], $0x2800  }
0x43: {  	[sflag:s20] =	ssyncset.done $0x0  }
0x44: {  	[sflag:s20] =	ssyncadd.s32 $0xFFFFD800  }
0x45: {  	[tilespmem:s4], [sflag:$0x4] =	stream.linear.gather [hbm4b:s17+s4], $0x50, $0x38;
	[tilespmem:$0x1D080] =	vst v63  }
0x46: {  	_ =	swait.ge [sflag:s20], $0x50  }
0x47: {  	[sflag:s20] =	ssyncset.done $0x0  }
0x48: {  	[sflag:s20] =	ssyncadd.s32 $0xFFFFFFB0  }
0x49: {  	[tilespmem:s22], [sflag:$0x1] =	stream.indirect.gather [hbm4b:s1+s21], $0x80, s4, s21, $0xb8;
	[tilespmem:$0x1D080] =	vst v63  }
0x4a: {  	_ =	swait.ge [sflag:s23], $0x2800  }
0x4b: {  	[sflag:s23] =	ssyncset.done $0x0  }
0x4c: {  	[sflag:s23] =	ssyncadd.s32 $0xFFFFD800  }
0x4d: {  	[hbm4b:s18+s4] =	stream.linear.scatter [tilespmem:s22], [sflag:$0x4], $0x2800, $0x38;
	[tilespmem:$0x1D080] =	vst v63  }
0x4e: {  	_ =	swait.ge [sflag:s20], $0x2800  }
0x4f: {  	[sflag:s20] =	ssyncset.done $0x0  }
0x50: {  	s2 =	simm.s32 $0x2880;
	[sflag:s20] =	ssyncadd.s32 $0xFFFFD800  }
0x51: {  	[tilespmem:s2], [sflag:$0x4] =	stream.linear.gather [hbm4b:s8+s4], $0x2800, $0x38;
	[tilespmem:$0x1D080] =	vst v63  }
0x52: {  	_ =	swait.ge [sflag:s20], $0x2800  }
0x53: {  	[sflag:s20] =	ssyncset.done $0x0  }
0x54: {  	s5 =	simm.s32 $0x2880;
	[sflag:s20] =	ssyncadd.s32 $0xFFFFD800  }
0x55: {  	[spmem:s3] =	stream.indirect.scatter.add.f32 [tilespmem:s19], [sflag:$0x2], $0x80, s5, s22, $0xb8;
	[tilespmem:$0x1D080] =	vst v63  }
0x56: {  	s24 =	simm.s32 $0x2900  }
0x57: {  	[spmem:s3] =	stream.indirect.scatter.add.f32 [tilespmem:s19], [sflag:$0x3], $0x80, s24, s22, $0xb8;
	[tilespmem:$0x1D080] =	vst v63  }
0x58: {  	_ =	swait.ge [sflag:s25], $0x4000  }
0x59: {  	[sflag:s25] =	ssyncset.done $0x0  }
0x5a: {  	[sflag:s25] =	ssyncadd.s32 $0xFFFFC000  }
0x5b: {  	_ =	swait.ge [sflag:s26], $0x4000  }
0x5c: {  	s31 =	simm.s32 $0x100;
	s2 =	simm.s32 $0x800;
	[sflag:s26] =	ssyncset.done $0x0  }
.LBB2_2:
0x5d: {  	s0 =	sadd.s32 $0x2880, s31  }
0x5e: {  	[sflag:s26] =	ssyncadd.s32 $0xFFFFC000;
	s24 =	smov.u32 s2;
	s5 =	sadd.s32 $0x400, s2  }
0x5f: {  	[spmem:s3] =	stream.indirect.scatter.add.f32 [tilespmem:s19], [sflag:$0x2], $0x80, s0, s22, $0xb8;
	[tilespmem:$0x1D080] =	vst v63  }
0x60: {  	p0 =	sne.s32 s2, $0x9C00;
	s0 =	sadd.s32 $0x2900, s31  }
0x61: {  	[spmem:s3] =	stream.indirect.scatter.add.f32 [tilespmem:s19], [sflag:$0x3], $0x80, s0, s22, $0xb8;
	[tilespmem:$0x1D080] =	vst v63  }
.Ltmp0:
0x62: {  	_ =	swait.ge [sflag:s25], $0x4000;
	(pc) =	sbr.rel @p0 .LBB2_2-.Ltmp0, $4  }
0x63: {  	[sflag:s25] =	ssyncset.done $0x0  }
0x64: {  	[sflag:s25] =	ssyncadd.s32 $0xFFFFC000  }
0x65: {  	_ =	swait.ge [sflag:s26], $0x4000  }
0x66: {  	s31 =	sshra.s32 s24, $0x2;
	s2 =	smov.u32 s5;
	[sflag:s26] =	ssyncset.done $0x0  }
0x67: {  	s0 =	sadd.s32 $0x2880, s31;
	[sflag:s26] =	ssyncadd.s32 $0xFFFFC000  }
0x68: {  	[spmem:s3] =	stream.indirect.scatter.add.f32 [tilespmem:s19], [sflag:$0x2], $0x80, s0, s22, $0xb8;
	[tilespmem:$0x1D080] =	vst v63  }
0x69: {  	s31 =	sadd.s32 $0x2900, s31  }
0x6a: {  	[spmem:s3] =	stream.indirect.scatter.add.f32 [tilespmem:s19], [sflag:$0x3], $0x80, s31, s22, $0xb8;
	[tilespmem:$0x1D080] =	vst v63  }
0x6b: {  	_ =	swait.ge [sflag:s25], $0x4000  }
0x6c: {  	[sflag:s25] =	ssyncset.done $0x0  }
0x6d: {  	[sflag:s25] =	ssyncadd.s32 $0xFFFFC000  }
0x6e: {  	_ =	swait.ge [sflag:s26], $0x4000  }
0x6f: {  	s28 =	sadd.s32 $0x1, s28;
	[sflag:s26] =	ssyncset.done $0x0  }
0x70: {  	p0 =	sne.s32 s28, s10;
	[sflag:s26] =	ssyncadd.s32 $0xFFFFC000  }
.Ltmp1:
0x71: {  	[bflag:$0x0] =	sbarrier.arrive $0xFFFF;
	(pc) =	sbr.rel @p0 .LBB2_1-.Ltmp1, $4  }
0x72: {  	[hbm:s9], [sflag:s29] =	dma.local [spmem:s30], $0x2800  }
0x73: {  	_ =	swait.ge [sflag:s20], $0x2800  }
0x74: {  	[sflag:s20] =	ssyncset.done $0x0  }
0x75: {  	[sflag:s20] =	ssyncadd.s32 $0xFFFFD800  }
0x76: {  	_ =	sfence.sel $0x180000  }
0x77: {  	[bflag:$0x0] =	sbarrier.arrive $0xFFFF  }
0x78: {  	_ =	strace $0x90000047  }
0x79: {  	s0 =	stileid.u32;
	[bflag:$0x2] =	sbarrier.arrive $0xFFFF  }
0x7a: {  	p0 =	sne.s32 s0, $0x0;
	s0 =	rddreg [dreg:$0x3]  }
0x7b: {  	s0 =	sadd.s32 @!p0 $0x100000, s0  }
0x7c: {  	[sflag:s0] =	ssyncadd.tile.s32 @!p0 $0x1;
	_ =	shalt  }
.Lfunc_end2:
_tile_overlayer_lowered:
.L_overlay_start_2:
0x7d: {  	(tag) =	ssettag $0x2  }
0x7e: {  	s0 =	rddreg [dreg:$0x0];
	s2 =	stileid.u32  }
0x7f: {  	s1 =	rddreg [dreg:$0x1];
	p0 =	sne.s32 s2, $0x0  }
0x80: {  	s3 =	rddreg [dreg:$0x2];
	[bflag:$0x3] =	sbarrier.arrive $0xFFFF;
	s2 =	simm.s32 @!p0 $0x1C04  }
0x81: {  	[timem:s3], [sflag:s2] =	dma.local @!p0 [hbm:s0], s1  }
0x82: {  	s0 =	simm.s32 @!p0 $0x4  }
0x83: {  	_ =	swait.ge @!p0 [sflag:s0], s1  }
0x84: {  	s1 =	ssub.s32 @!p0 $0x0, s1;
	[sflag:s0] =	ssyncset.done @!p0 $0x0  }
0x85: {  	[sflag:s0] =	ssyncadd.s32 @!p0 s1  }
0x86: {  	[bflag:$0x3] =	sbarrier.arrive $0xFFFF  }
0x87: {  	_ =	shalt  }

</sc_bundles>
